<compile_context>
chip_gen: v7x
topology: tpu7x:2x2x1
jax: 0.10.2.dev20260603
libtpu: 0.0.44.dev20260713+nightly
codegen_flags: <defaults>
</compile_context>

<pallas_src>
import jax
import jax.numpy as jnp
from jax import lax
from jax.experimental import pallas as pl
from jax.experimental.pallas import tpu as pltpu
from jax.experimental.pallas import tpu_sc as plsc

NUM_DOCS = 100000
VOCAB = 100000
D_DOC = 128
D_WORD = 64
BATCH = 1024
N_GRAM = 5
Z = 10.0
LAMB = 0.01

ROW = VOCAB
NC, NS, L = 2, 16, 16
NW = NC * NS
DOCS_PER_W = BATCH // NW
WORD_ROWS_PER_W = D_WORD // NW
SUM_UNROLL = 8


CHUNKS = ((0, 33280), (33280, 33280), (66560, 33408))
N_CHUNK = len(CHUNKS)
TAIL_OFF = 99968
TAIL = ROW - TAIL_OFF


def _sc_body(rdT_h, rv_h, rvt_h, didx_h, wids_h, doc_h, wpT_h, part_h,
             row_v, didx_v, wids_v, out_v, rows_v, acc_v, sem, *csems):
    wid = lax.axis_index("s") * NC + lax.axis_index("c")

    def _fire_row(r):
        descs = [
            pltpu.async_copy(rv_h.at[r].at[pl.ds(off, sz)],
                             row_v.at[pl.ds(off, sz)], csems[c])
            for c, (off, sz) in enumerate(CHUNKS)
        ]
        descs.append(pltpu.async_copy(rvt_h.at[pl.ds(r * TAIL, TAIL)],
                                      row_v.at[pl.ds(TAIL_OFF, TAIL)],
                                      csems[N_CHUNK]))
        return descs

    r0 = wid * WORD_ROWS_PER_W
    descs = _fire_row(r0)

    base = wid * DOCS_PER_W
    pltpu.sync_copy(didx_h.at[pl.ds(base, DOCS_PER_W)], didx_v)
    pltpu.async_copy(rdT_h.at[didx_v], rows_v, sem).wait()
    pltpu.sync_copy(rows_v, doc_h.at[pl.ds(base, DOCS_PER_W), :])
    pltpu.sync_copy(wids_h, wids_v)

    accs = tuple(jnp.zeros((L,), jnp.float32) for _ in range(SUM_UNROLL))

    def _sum_chunk(accs, chunk_base, chunk_sz):
        def sbody(i, a):
            off = chunk_base + i * (SUM_UNROLL * L)
            return tuple(
                a[u] + row_v[pl.ds(off + u * L, L)] for u in range(SUM_UNROLL)
            )
        return lax.fori_loop(0, chunk_sz // (SUM_UNROLL * L), sbody, accs)

    for k in range(WORD_ROWS_PER_W):
        r = wid * WORD_ROWS_PER_W + k
        for c, (off, sz) in enumerate(CHUNKS):
            descs[c].wait()
            accs = _sum_chunk(accs, off, sz)
        descs[N_CHUNK].wait()
        accs = (accs[0] + row_v[pl.ds(TAIL_OFF, L)],
                accs[1] + row_v[pl.ds(TAIL_OFF + L, L)]) + accs[2:]

        def wbody(c, _):
            s = jnp.zeros((L,), jnp.float32)
            for g in range(N_GRAM):
                idx = wids_v[pl.ds(g * BATCH + c * L, L)]
                s = s + plsc.load_gather(row_v, [idx])
            out_v[pl.ds(c * L, L)] = s * (1.0 / N_GRAM)
            return 0
        lax.fori_loop(0, BATCH // L, wbody, 0)
        if k + 1 < WORD_ROWS_PER_W:
            descs = _fire_row(r + 1)
        pltpu.sync_copy(out_v, wpT_h.at[r])

    acc = accs[0]
    for u in range(1, SUM_UNROLL):
        acc = acc + accs[u]
    acc_v[...] = acc
    pltpu.sync_copy(acc_v, part_h.at[wid])


def _make_sc_kernel():
    return pl.kernel(
        _sc_body,
        out_type=(
            jax.ShapeDtypeStruct((BATCH, D_DOC), jnp.float32),
            jax.ShapeDtypeStruct((D_WORD, BATCH), jnp.float32),
            jax.ShapeDtypeStruct((NW, L), jnp.float32),
        ),
        mesh=plsc.VectorSubcoreMesh(core_axis_name="c", subcore_axis_name="s",
                                    num_cores=NC, num_subcores=NS),
        compiler_params=pltpu.CompilerParams(needs_layout_passes=False),
        scratch_types=[
            pltpu.VMEM((ROW,), jnp.float32),
            pltpu.VMEM((DOCS_PER_W,), jnp.int32),
            pltpu.VMEM((N_GRAM * BATCH,), jnp.int32),
            pltpu.VMEM((BATCH,), jnp.float32),
            pltpu.VMEM((DOCS_PER_W, D_DOC), jnp.float32),
            pltpu.VMEM((L,), jnp.float32),
            pltpu.SemaphoreType.DMA,
            *[pltpu.SemaphoreType.DMA for _ in range(N_CHUNK + 1)],
        ],
    )


RD_CHUNK = 20000


def _rdsum_body(x_ref, o_ref):
    @pl.when(pl.program_id(0) == 0)
    def _():
        o_ref[...] = jnp.zeros_like(o_ref)
    o_ref[...] += jnp.sum(x_ref[...], axis=0, keepdims=True)


def _tc_rdsum(rdT):
    return pl.pallas_call(
        _rdsum_body,
        grid=(NUM_DOCS // RD_CHUNK,),
        in_specs=[pl.BlockSpec((RD_CHUNK, D_DOC), lambda i: (i, 0))],
        out_specs=pl.BlockSpec((1, D_DOC), lambda i: (0, 0)),
        out_shape=jax.ShapeDtypeStruct((1, D_DOC), jnp.float32),
    )(rdT)


B_BLK = 128


def _tc_body(wpT_ref, doc_ref, projT_ref, beta_ref, part_ref, rdp_ref,
             out_ref, loss_ref):
    wp = wpT_ref[...].T
    doc = doc_ref[...]
    projT = projT_ref[...]
    beta3 = beta_ref[...].T.reshape(1, D_WORD, 1)

    inv_n = lax.rsqrt(jnp.sum(wp * wp, axis=1, keepdims=True))
    xn = wp * inv_n

    mu = jnp.dot(xn, projT, preferred_element_type=jnp.float32,
                 precision=lax.Precision.HIGHEST) * (1.0 / D_WORD)
    sq = jnp.dot(xn * xn, projT * projT, preferred_element_type=jnp.float32,
                 precision=lax.Precision.HIGHEST)
    var = (sq - D_WORD * mu * mu) * (1.0 / (D_WORD - 1))
    inv = lax.rsqrt(jnp.sqrt(var))

    docn = doc * (-1.4426950408889634)
    fx = projT[None, :, :] * xn[:, :, None]
    t = jnp.clip((fx - mu[:, None, :]) * inv[:, None, :] + beta3, -1.0, 1.0)
    e = lax.exp2(t * docn[:, None, :])
    out_ref[...] = lax.log(1.0 + e) * (-Z)

    total = jnp.sum(part_ref[...]) + jnp.sum(rdp_ref[...]) + jnp.sum(projT)
    loss_ref[...] = jnp.broadcast_to((LAMB / (2.0 * BATCH)) * total, (1, 1))


def _tc_dense(wpT, doc, projT, betaT, parts, rd_part):
    return pl.pallas_call(
        _tc_body,
        grid=(BATCH // B_BLK,),
        in_specs=[
            pl.BlockSpec((D_WORD, B_BLK), lambda i: (0, i)),
            pl.BlockSpec((B_BLK, D_DOC), lambda i: (i, 0)),
            pl.BlockSpec((D_WORD, D_DOC), lambda i: (0, 0)),
            pl.BlockSpec((1, D_WORD), lambda i: (0, 0)),
            pl.BlockSpec((NW, L), lambda i: (0, 0)),
            pl.BlockSpec((1, D_DOC), lambda i: (0, 0)),
        ],
        out_specs=[
            pl.BlockSpec((B_BLK, D_WORD, D_DOC), lambda i: (i, 0, 0)),
            pl.BlockSpec((1, 1), lambda i: (0, 0)),
        ],
        out_shape=[
            jax.ShapeDtypeStruct((BATCH, D_WORD, D_DOC), jnp.float32),
            jax.ShapeDtypeStruct((1, 1), jnp.float32),
        ],
    )(wpT, doc, projT, betaT, parts, rd_part)


def kernel(rd, rv, proj, beta, doc_idx, word_ids):
    rdT = jnp.swapaxes(rd, 0, 1)
    projT = jnp.swapaxes(proj, 0, 1)
    didx = doc_idx.astype(jnp.int32)
    wids = word_ids.astype(jnp.int32).T.reshape(N_GRAM * BATCH)
    rv_tail = lax.slice(rv, (0, TAIL_OFF), (D_WORD, ROW)).reshape(
        D_WORD * TAIL)
    doc, wpT, parts = _make_sc_kernel()(rdT, rv, rv_tail, didx, wids)
    rd_part = _tc_rdsum(rdT)
    out3, loss = _tc_dense(wpT, doc, projT, jnp.swapaxes(beta, 0, 1),
                           parts, rd_part)
    return jnp.swapaxes(out3, 1, 2), loss[0, 0]

# --- scband reference (transcript-rebuilt; emitter-appended) ---
"""Pipeline reference for scband-nvsm-81166291960141 (READ-ONLY COPY).

The authoritative reference and input builder live on the scoring server;
editing this copy changes nothing except your own understanding.
"""

import jax, jax.numpy as jnp
import numpy as np

NUM_DOCS = 100000
VOCAB = 100000
D_DOC = 128
D_WORD = 64
BATCH = 1024
N_GRAM = 5
Z = 10.0
LAMB = 0.01


def setup_inputs(seed: int = 0):
    key = jax.random.key(seed)
    k1, k2, k3, k4, k5, k6 = jax.random.split(key, 6)
    # xavier_normal-style init for rd and proj, plain normal for word embeddings,
    # uniform for beta (torch.rand), matching the torch module's parameter setup.
    rd = jax.random.normal(k1, (D_DOC, NUM_DOCS), dtype=jnp.float32) * (2.0 / (D_DOC + NUM_DOCS)) ** 0.5
    rv = jax.random.normal(k2, (D_WORD, VOCAB), dtype=jnp.float32)
    proj = jax.random.normal(k3, (D_DOC, D_WORD), dtype=jnp.float32) * (2.0 / (D_DOC + D_WORD)) ** 0.5
    beta = jax.random.uniform(k4, (D_WORD, 1), dtype=jnp.float32)
    # The torch module samples (doc, n-gram window) pairs internally with torch.rand;
    # randomness is externalized here as explicit index tensors.
    doc_idx = jax.random.randint(k5, (BATCH,), 0, NUM_DOCS)
    word_ids = jax.random.randint(k6, (BATCH, N_GRAM), 0, VOCAB)
    return {"rd": rd, "rv": rv, "proj": proj, "beta": beta, "doc_idx": doc_idx, "word_ids": word_ids}


def _hardtanh(x):
    return jnp.clip(x, -1.0, 1.0)


def reference(rd, rv, proj, beta, doc_idx, word_ids):
    # sample_batch: gather document embeddings and n-gram word embeddings (SparseCore gathers)
    doc_emb = jnp.take(rd, doc_idx, axis=1).T                      # [B, D_DOC]
    w = jnp.take(rv, word_ids.reshape(-1), axis=1).T               # [B*N_GRAM, D_WORD]
    w = w.reshape(BATCH, N_GRAM, D_WORD)                           # per-sample [D_WORD, n_gram] stacked
    # g: mean over the n-gram dimension
    wp = jnp.mean(w, axis=1)                                       # [B, D_WORD]
    # norm: x / ||x|| per sample
    xn = wp / jnp.linalg.norm(wp, axis=1, keepdims=True)           # [B, D_WORD]
    # f: elementwise proj * x (broadcast over batch)
    fx = proj[None, :, :] * xn[:, None, :]                         # [B, D_DOC, D_WORD]
    # t: hardtanh((x - mean)/sqrt(std) + beta)  (keepdims used to make broadcast well-defined)
    mu = jnp.mean(fx, axis=2, keepdims=True)
    sd = jnp.std(fx, axis=2, keepdims=True, ddof=1)
    t = _hardtanh((fx - mu) / jnp.sqrt(sd) + beta.T[None, :, :])   # [B, D_DOC, D_WORD]
    # p: sigmoid(t * doc)
    p = jax.nn.sigmoid(t * doc_emb[:, :, None])
    log_p = Z * jnp.log(p)
    # loss: out is zeros in the original; m (undefined in the original) is taken as batch_size
    m = BATCH
    loss = (1.0 / BATCH) * 0.0 + (LAMB / (2.0 * m)) * (jnp.sum(rd) + jnp.sum(rv) + jnp.sum(proj))
    return log_p, loss

if __name__ == "__main__":
    import jax
    _d = setup_inputs()
    print(jax.jit(kernel)(*tuple(_d.values())))

</pallas_src>

<mosaic_0001>
#map = affine_map<(d0, d1) -> (0, 0)>
#map1 = affine_map<(d0, d1) -> (0)>
module attributes {stable_mosaic.version = 14 : i64} {
  func.func @_sc_body(%arg0: i32, %arg1: i32, %arg2: memref<100000x128xf32, #tpu.memory_space<hbm>>, %arg3: memref<64x100000xf32, #tpu.memory_space<hbm>>, %arg4: memref<2048xf32, #tpu.memory_space<hbm>>, %arg5: memref<1024xi32, #tpu.memory_space<hbm>>, %arg6: memref<5120xi32, #tpu.memory_space<hbm>>, %arg7: memref<1024x128xf32, #tpu.memory_space<hbm>>, %arg8: memref<64x1024xf32, #tpu.memory_space<hbm>>, %arg9: memref<32x16xf32, #tpu.memory_space<hbm>>, %arg10: memref<100000xf32, #tpu.memory_space<vmem>>, %arg11: memref<32xi32, #tpu.memory_space<vmem>>, %arg12: memref<5120xi32, #tpu.memory_space<vmem>>, %arg13: memref<1024xf32, #tpu.memory_space<vmem>>, %arg14: memref<32x128xf32, #tpu.memory_space<vmem>>, %arg15: memref<16xf32, #tpu.memory_space<vmem>>, %arg16: memref<!tpu.dma_semaphore, #tpu.memory_space<semaphore_mem>>, %arg17: memref<!tpu.dma_semaphore, #tpu.memory_space<semaphore_mem>>, %arg18: memref<!tpu.dma_semaphore, #tpu.memory_space<semaphore_mem>>, %arg19: memref<!tpu.dma_semaphore, #tpu.memory_space<semaphore_mem>>, %arg20: memref<!tpu.dma_semaphore, #tpu.memory_space<semaphore_mem>>) attributes {dimension_semantics = [#tpu.dimension_semantics<core_parallel>, #tpu.dimension_semantics<subcore_parallel>], iteration_bounds = array<i64: 2, 16>, scalar_prefetch = 0 : i64, scratch_operands = 11 : i64, tpu.core_type = #tpu.core_type<sc_vector_subcore>, window_params = [{transform_indices = #map}, {transform_indices = #map}, {transform_indices = #map1}, {transform_indices = #map1}, {transform_indices = #map1}, {transform_indices = #map}, {transform_indices = #map}, {transform_indices = #map}]} {
    %mul3A = arith.constant 2 : i32
    %mul3A_0 = arith.muli %arg1, %mul3A : i32
    %add3A = arith.addi %mul3A_0, %arg0 : i32
    %mul3A_1 = arith.constant 2 : i32
    %mul3A_2 = arith.muli %add3A, %mul3A_1 : i32
    %dma_start3A = arith.constant 0 : i32
    %dma_start3A_3 = tpu.memref_slice %arg10[%dma_start3A] : memref<100000xf32, #tpu.memory_space<vmem>> -> memref<33280xf32, #tpu.memory_space<vmem>>
    %dma_start3A_4 = arith.constant 0 : i32
    %dma_start3A_5 = tpu.memref_slice %arg3[%mul3A_2, %dma_start3A_4] : memref<64x100000xf32, #tpu.memory_space<hbm>> -> memref<1x100000xf32, #tpu.memory_space<hbm>>
    %dma_start3A_6 = tpu.memref_squeeze %dma_start3A_5 : memref<1x100000xf32, #tpu.memory_space<hbm>> -> memref<100000xf32, #tpu.memory_space<hbm>>
    %dma_start3A_7 = arith.constant 0 : i32
    %dma_start3A_8 = tpu.memref_slice %dma_start3A_6[%dma_start3A_7] : memref<100000xf32, #tpu.memory_space<hbm>> -> memref<33280xf32, #tpu.memory_space<hbm>>
    %dma_start3A_9 = arith.constant 0 : i32
    %dma_start3A_10 = tpu.memref_slice %arg10[%dma_start3A_9] : memref<100000xf32, #tpu.memory_space<vmem>> -> memref<33280xf32, #tpu.memory_space<vmem>>
    %dma_start3A_11 = arith.constant 0 : i32
    %dma_start3A_12 = tpu.memref_slice %arg3[%mul3A_2, %dma_start3A_11] : memref<64x100000xf32, #tpu.memory_space<hbm>> -> memref<1x100000xf32, #tpu.memory_space<hbm>>
    %dma_start3A_13 = tpu.memref_squeeze %dma_start3A_12 : memref<1x100000xf32, #tpu.memory_space<hbm>> -> memref<100000xf32, #tpu.memory_space<hbm>>
    %dma_start3A_14 = arith.constant 0 : i32
    %dma_start3A_15 = tpu.memref_slice %dma_start3A_13[%dma_start3A_14] : memref<100000xf32, #tpu.memory_space<hbm>> -> memref<33280xf32, #tpu.memory_space<hbm>>
    tpu.enqueue_dma source(%dma_start3A_15 : memref<33280xf32, #tpu.memory_space<hbm>>) target(%dma_start3A_10 : memref<33280xf32, #tpu.memory_space<vmem>>) target_semaphore(%arg17 : memref<!tpu.dma_semaphore, #tpu.memory_space<semaphore_mem>>)
    %dma_start3A_16 = arith.constant 33280 : i32
    %dma_start3A_17 = tpu.memref_slice %arg10[%dma_start3A_16] : memref<100000xf32, #tpu.memory_space<vmem>> -> memref<33280xf32, #tpu.memory_space<vmem>>
    %dma_start3A_18 = arith.constant 0 : i32
    %dma_start3A_19 = tpu.memref_slice %arg3[%mul3A_2, %dma_start3A_18] : memref<64x100000xf32, #tpu.memory_space<hbm>> -> memref<1x100000xf32, #tpu.memory_space<hbm>>
    %dma_start3A_20 = tpu.memref_squeeze %dma_start3A_19 : memref<1x100000xf32, #tpu.memory_space<hbm>> -> memref<100000xf32, #tpu.memory_space<hbm>>
    %dma_start3A_21 = arith.constant 33280 : i32
    %dma_start3A_22 = tpu.memref_slice %dma_start3A_20[%dma_start3A_21] : memref<100000xf32, #tpu.memory_space<hbm>> -> memref<33280xf32, #tpu.memory_space<hbm>>
    %dma_start3A_23 = arith.constant 33280 : i32
    %dma_start3A_24 = tpu.memref_slice %arg10[%dma_start3A_23] : memref<100000xf32, #tpu.memory_space<vmem>> -> memref<33280xf32, #tpu.memory_space<vmem>>
    %dma_start3A_25 = arith.constant 0 : i32
    %dma_start3A_26 = tpu.memref_slice %arg3[%mul3A_2, %dma_start3A_25] : memref<64x100000xf32, #tpu.memory_space<hbm>> -> memref<1x100000xf32, #tpu.memory_space<hbm>>
    %dma_start3A_27 = tpu.memref_squeeze %dma_start3A_26 : memref<1x100000xf32, #tpu.memory_space<hbm>> -> memref<100000xf32, #tpu.memory_space<hbm>>
    %dma_start3A_28 = arith.constant 33280 : i32
    %dma_start3A_29 = tpu.memref_slice %dma_start3A_27[%dma_start3A_28] : memref<100000xf32, #tpu.memory_space<hbm>> -> memref<33280xf32, #tpu.memory_space<hbm>>
    tpu.enqueue_dma source(%dma_start3A_29 : memref<33280xf32, #tpu.memory_space<hbm>>) target(%dma_start3A_24 : memref<33280xf32, #tpu.memory_space<vmem>>) target_semaphore(%arg18 : memref<!tpu.dma_semaphore, #tpu.memory_space<semaphore_mem>>)
    %dma_start3A_30 = arith.constant 66560 : i32
    %dma_start3A_31 = tpu.memref_slice %arg10[%dma_start3A_30] : memref<100000xf32, #tpu.memory_space<vmem>> -> memref<33408xf32, #tpu.memory_space<vmem>>
    %dma_start3A_32 = arith.constant 0 : i32
    %dma_start3A_33 = tpu.memref_slice %arg3[%mul3A_2, %dma_start3A_32] : memref<64x100000xf32, #tpu.memory_space<hbm>> -> memref<1x100000xf32, #tpu.memory_space<hbm>>
    %dma_start3A_34 = tpu.memref_squeeze %dma_start3A_33 : memref<1x100000xf32, #tpu.memory_space<hbm>> -> memref<100000xf32, #tpu.memory_space<hbm>>
    %dma_start3A_35 = arith.constant 66560 : i32
    %dma_start3A_36 = tpu.memref_slice %dma_start3A_34[%dma_start3A_35] : memref<100000xf32, #tpu.memory_space<hbm>> -> memref<33408xf32, #tpu.memory_space<hbm>>
    %dma_start3A_37 = arith.constant 66560 : i32
    %dma_start3A_38 = tpu.memref_slice %arg10[%dma_start3A_37] : memref<100000xf32, #tpu.memory_space<vmem>> -> memref<33408xf32, #tpu.memory_space<vmem>>
    %dma_start3A_39 = arith.constant 0 : i32
    %dma_start3A_40 = tpu.memref_slice %arg3[%mul3A_2, %dma_start3A_39] : memref<64x100000xf32, #tpu.memory_space<hbm>> -> memref<1x100000xf32, #tpu.memory_space<hbm>>
    %dma_start3A_41 = tpu.memref_squeeze %dma_start3A_40 : memref<1x100000xf32, #tpu.memory_space<hbm>> -> memref<100000xf32, #tpu.memory_space<hbm>>
    %dma_start3A_42 = arith.constant 66560 : i32
    %dma_start3A_43 = tpu.memref_slice %dma_start3A_41[%dma_start3A_42] : memref<100000xf32, #tpu.memory_space<hbm>> -> memref<33408xf32, #tpu.memory_space<hbm>>
    tpu.enqueue_dma source(%dma_start3A_43 : memref<33408xf32, #tpu.memory_space<hbm>>) target(%dma_start3A_38 : memref<33408xf32, #tpu.memory_space<vmem>>) target_semaphore(%arg19 : memref<!tpu.dma_semaphore, #tpu.memory_space<semaphore_mem>>)
    %mul3A_44 = arith.constant 32 : i32
    %mul3A_45 = arith.muli %mul3A_2, %mul3A_44 : i32
    %dma_start3A_46 = arith.constant 99968 : i32
    %dma_start3A_47 = tpu.memref_slice %arg10[%dma_start3A_46] : memref<100000xf32, #tpu.memory_space<vmem>> -> memref<32xf32, #tpu.memory_space<vmem>>
    %dma_start3A_48 = tpu.memref_slice %arg4[%mul3A_45] : memref<2048xf32, #tpu.memory_space<hbm>> -> memref<32xf32, #tpu.memory_space<hbm>>
    %dma_start3A_49 = arith.constant 99968 : i32
    %dma_start3A_50 = tpu.memref_slice %arg10[%dma_start3A_49] : memref<100000xf32, #tpu.memory_space<vmem>> -> memref<32xf32, #tpu.memory_space<vmem>>
    %dma_start3A_51 = tpu.memref_slice %arg4[%mul3A_45] : memref<2048xf32, #tpu.memory_space<hbm>> -> memref<32xf32, #tpu.memory_space<hbm>>
    tpu.enqueue_dma source(%dma_start3A_51 : memref<32xf32, #tpu.memory_space<hbm>>) target(%dma_start3A_50 : memref<32xf32, #tpu.memory_space<vmem>>) target_semaphore(%arg20 : memref<!tpu.dma_semaphore, #tpu.memory_space<semaphore_mem>>)
    %mul3A_52 = arith.constant 32 : i32
    %mul3A_53 = arith.muli %add3A, %mul3A_52 : i32
    "tpu.region"() ({
      %run_scoped3A = tpu.sem_alloc : memref<!tpu.dma_semaphore, #tpu.memory_space<semaphore_mem>>
      %dma_start3A_298 = tpu.memref_slice %arg5[%mul3A_53] : memref<1024xi32, #tpu.memory_space<hbm>> -> memref<32xi32, #tpu.memory_space<hbm>>
      %dma_start3A_299 = tpu.memref_slice %arg5[%mul3A_53] : memref<1024xi32, #tpu.memory_space<hbm>> -> memref<32xi32, #tpu.memory_space<hbm>>
      tpu.enqueue_dma source(%dma_start3A_299 : memref<32xi32, #tpu.memory_space<hbm>>) target(%arg11 : memref<32xi32, #tpu.memory_space<vmem>>) target_semaphore(%run_scoped3A : memref<!tpu.dma_semaphore, #tpu.memory_space<semaphore_mem>>)
      %dma_wait3A_300 = tpu.memref_slice %arg5[%mul3A_53] : memref<1024xi32, #tpu.memory_space<hbm>> -> memref<32xi32, #tpu.memory_space<hbm>>
      %dma_wait3A_301 = tpu.memref_slice %arg5[%mul3A_53] : memref<1024xi32, #tpu.memory_space<hbm>> -> memref<32xi32, #tpu.memory_space<hbm>>
      tpu.wait_dma2 semaphore(%run_scoped3A : memref<!tpu.dma_semaphore, #tpu.memory_space<semaphore_mem>>) src(%dma_wait3A_301 : memref<32xi32, #tpu.memory_space<hbm>>) dst(%arg11 : memref<32xi32, #tpu.memory_space<vmem>>)
      tpu.yield
    }) : () -> ()
    %dma_start3A_54 = arith.constant 0 : i32
    %dma_start3A_55 = arith.constant 0 : i32
    %dma_start3A_56 = tpu.memref_slice %arg2[%dma_start3A_54, %dma_start3A_55] : memref<100000x128xf32, #tpu.memory_space<hbm>> -> memref<100000x128xf32, #tpu.memory_space<hbm>>
    tpu.enqueue_indirect_dma source(%dma_start3A_56 : memref<100000x128xf32, #tpu.memory_space<hbm>>) target(%arg14 : memref<32x128xf32, #tpu.memory_space<vmem>>) offsets(%arg11 : memref<32xi32, #tpu.memory_space<vmem>>) semaphore(%arg16 : memref<!tpu.dma_semaphore, #tpu.memory_space<semaphore_mem>>)
    %dma_wait3A = arith.constant 0 : i32
    %dma_wait3A_57 = arith.constant 0 : i32
    %dma_wait3A_58 = tpu.memref_slice %arg2[%dma_wait3A, %dma_wait3A_57] : memref<100000x128xf32, #tpu.memory_space<hbm>> -> memref<100000x128xf32, #tpu.memory_space<hbm>>
    tpu.wait_indirect_dma semaphore(%arg16 : memref<!tpu.dma_semaphore, #tpu.memory_space<semaphore_mem>>) src(%dma_wait3A_58 : memref<100000x128xf32, #tpu.memory_space<hbm>>) dst(%arg14 : memref<32x128xf32, #tpu.memory_space<vmem>>)
    "tpu.region"() ({
      %run_scoped3A = tpu.sem_alloc : memref<!tpu.dma_semaphore, #tpu.memory_space<semaphore_mem>>
      %dma_start3A_298 = arith.constant 0 : i32
      %dma_start3A_299 = tpu.memref_slice %arg7[%mul3A_53, %dma_start3A_298] : memref<1024x128xf32, #tpu.memory_space<hbm>> -> memref<32x128xf32, #tpu.memory_space<hbm>>
      %dma_start3A_300 = arith.constant 0 : i32
      %dma_start3A_301 = tpu.memref_slice %arg7[%mul3A_53, %dma_start3A_300] : memref<1024x128xf32, #tpu.memory_space<hbm>> -> memref<32x128xf32, #tpu.memory_space<hbm>>
      tpu.enqueue_dma source(%arg14 : memref<32x128xf32, #tpu.memory_space<vmem>>) target(%dma_start3A_301 : memref<32x128xf32, #tpu.memory_space<hbm>>) target_semaphore(%run_scoped3A : memref<!tpu.dma_semaphore, #tpu.memory_space<semaphore_mem>>)
      %dma_wait3A_302 = arith.constant 0 : i32
      %dma_wait3A_303 = tpu.memref_slice %arg7[%mul3A_53, %dma_wait3A_302] : memref<1024x128xf32, #tpu.memory_space<hbm>> -> memref<32x128xf32, #tpu.memory_space<hbm>>
      %dma_wait3A_304 = arith.constant 0 : i32
      %dma_wait3A_305 = tpu.memref_slice %arg7[%mul3A_53, %dma_wait3A_304] : memref<1024x128xf32, #tpu.memory_space<hbm>> -> memref<32x128xf32, #tpu.memory_space<hbm>>
      tpu.wait_dma2 semaphore(%run_scoped3A : memref<!tpu.dma_semaphore, #tpu.memory_space<semaphore_mem>>) src(%arg14 : memref<32x128xf32, #tpu.memory_space<vmem>>) dst(%dma_wait3A_305 : memref<32x128xf32, #tpu.memory_space<hbm>>)
      tpu.yield
    }) : () -> ()
    "tpu.region"() ({
      %run_scoped3A = tpu.sem_alloc : memref<!tpu.dma_semaphore, #tpu.memory_space<semaphore_mem>>
      tpu.enqueue_dma source(%arg6 : memref<5120xi32, #tpu.memory_space<hbm>>) target(%arg12 : memref<5120xi32, #tpu.memory_space<vmem>>) target_semaphore(%run_scoped3A : memref<!tpu.dma_semaphore, #tpu.memory_space<semaphore_mem>>)
      tpu.wait_dma2 semaphore(%run_scoped3A : memref<!tpu.dma_semaphore, #tpu.memory_space<semaphore_mem>>) src(%arg6 : memref<5120xi32, #tpu.memory_space<hbm>>) dst(%arg12 : memref<5120xi32, #tpu.memory_space<vmem>>)
      tpu.yield
    }) : () -> ()
    %broadcast_in_dim3A = arith.constant 0.000000e+00 : f32
    %broadcast_in_dim3A_59 = vector.broadcast %broadcast_in_dim3A : f32 to vector<16xf32>
    %broadcast_in_dim3A_60 = arith.constant 0.000000e+00 : f32
    %broadcast_in_dim3A_61 = vector.broadcast %broadcast_in_dim3A_60 : f32 to vector<16xf32>
    %broadcast_in_dim3A_62 = arith.constant 0.000000e+00 : f32
    %broadcast_in_dim3A_63 = vector.broadcast %broadcast_in_dim3A_62 : f32 to vector<16xf32>
    %broadcast_in_dim3A_64 = arith.constant 0.000000e+00 : f32
    %broadcast_in_dim3A_65 = vector.broadcast %broadcast_in_dim3A_64 : f32 to vector<16xf32>
    %broadcast_in_dim3A_66 = arith.constant 0.000000e+00 : f32
    %broadcast_in_dim3A_67 = vector.broadcast %broadcast_in_dim3A_66 : f32 to vector<16xf32>
    %broadcast_in_dim3A_68 = arith.constant 0.000000e+00 : f32
    %broadcast_in_dim3A_69 = vector.broadcast %broadcast_in_dim3A_68 : f32 to vector<16xf32>
    %broadcast_in_dim3A_70 = arith.constant 0.000000e+00 : f32
    %broadcast_in_dim3A_71 = vector.broadcast %broadcast_in_dim3A_70 : f32 to vector<16xf32>
    %broadcast_in_dim3A_72 = arith.constant 0.000000e+00 : f32
    %broadcast_in_dim3A_73 = vector.broadcast %broadcast_in_dim3A_72 : f32 to vector<16xf32>
    %mul3A_74 = arith.constant 2 : i32
    %mul3A_75 = arith.muli %add3A, %mul3A_74 : i32
    %add3A_76 = arith.constant 0 : i32
    %add3A_77 = arith.addi %mul3A_75, %add3A_76 : i32
    %dma_wait3A_78 = arith.constant 0 : i32
    %dma_wait3A_79 = tpu.memref_slice %arg10[%dma_wait3A_78] : memref<100000xf32, #tpu.memory_space<vmem>> -> memref<33280xf32, #tpu.memory_space<vmem>>
    %dma_wait3A_80 = arith.constant 0 : i32
    %dma_wait3A_81 = tpu.memref_slice %arg3[%mul3A_2, %dma_wait3A_80] : memref<64x100000xf32, #tpu.memory_space<hbm>> -> memref<1x100000xf32, #tpu.memory_space<hbm>>
    %dma_wait3A_82 = tpu.memref_squeeze %dma_wait3A_81 : memref<1x100000xf32, #tpu.memory_space<hbm>> -> memref<100000xf32, #tpu.memory_space<hbm>>
    %dma_wait3A_83 = arith.constant 0 : i32
    %dma_wait3A_84 = tpu.memref_slice %dma_wait3A_82[%dma_wait3A_83] : memref<100000xf32, #tpu.memory_space<hbm>> -> memref<33280xf32, #tpu.memory_space<hbm>>
    %dma_wait3A_85 = arith.constant 0 : i32
    %dma_wait3A_86 = tpu.memref_slice %arg10[%dma_wait3A_85] : memref<100000xf32, #tpu.memory_space<vmem>> -> memref<33280xf32, #tpu.memory_space<vmem>>
    %dma_wait3A_87 = arith.constant 0 : i32
    %dma_wait3A_88 = tpu.memref_slice %arg3[%mul3A_2, %dma_wait3A_87] : memref<64x100000xf32, #tpu.memory_space<hbm>> -> memref<1x100000xf32, #tpu.memory_space<hbm>>
    %dma_wait3A_89 = tpu.memref_squeeze %dma_wait3A_88 : memref<1x100000xf32, #tpu.memory_space<hbm>> -> memref<100000xf32, #tpu.memory_space<hbm>>
    %dma_wait3A_90 = arith.constant 0 : i32
    %dma_wait3A_91 = tpu.memref_slice %dma_wait3A_89[%dma_wait3A_90] : memref<100000xf32, #tpu.memory_space<hbm>> -> memref<33280xf32, #tpu.memory_space<hbm>>
    tpu.wait_dma2 semaphore(%arg17 : memref<!tpu.dma_semaphore, #tpu.memory_space<semaphore_mem>>) src(%dma_wait3A_91 : memref<33280xf32, #tpu.memory_space<hbm>>) dst(%dma_wait3A_86 : memref<33280xf32, #tpu.memory_space<vmem>>)
    %scan3A = arith.constant 0 : i32
    %scan3A_92 = arith.constant 260 : i32
    %scan3A_93 = arith.addi %scan3A, %scan3A_92 : i32
    %scan3A_94 = arith.constant 1 : i32
    %scan3A_95:8 = scf.for %scan3A_298 = %scan3A to %scan3A_93 step %scan3A_94 iter_args(%scan3A_299 = %broadcast_in_dim3A_59, %scan3A_300 = %broadcast_in_dim3A_61, %scan3A_301 = %broadcast_in_dim3A_63, %scan3A_302 = %broadcast_in_dim3A_65, %scan3A_303 = %broadcast_in_dim3A_67, %scan3A_304 = %broadcast_in_dim3A_69, %scan3A_305 = %broadcast_in_dim3A_71, %scan3A_306 = %broadcast_in_dim3A_73) -> (vector<16xf32>, vector<16xf32>, vector<16xf32>, vector<16xf32>, vector<16xf32>, vector<16xf32>, vector<16xf32>, vector<16xf32>)  : i32 {
      %mul3A_307 = arith.constant 128 : i32
      %mul3A_308 = arith.muli %scan3A_298, %mul3A_307 : i32
      %add3A_309 = arith.constant 0 : i32
      %add3A_310 = arith.addi %add3A_309, %mul3A_308 : i32
      %add3A_311 = arith.constant 0 : i32
      %add3A_312 = arith.addi %add3A_310, %add3A_311 : i32
      %get3A_313 = arith.index_cast %add3A_312 : i32 to index
      %get3A_314 = tpu.vector_load %arg10[%get3A_313] {strides = array<i32>} : memref<100000xf32, #tpu.memory_space<vmem>>, vector<16xf32>,
      %add3A_315 = arith.addf %scan3A_299, %get3A_314 : vector<16xf32>
      %add3A_316 = arith.constant 16 : i32
      %add3A_317 = arith.addi %add3A_310, %add3A_316 : i32
      %get3A_318 = arith.index_cast %add3A_317 : i32 to index
      %get3A_319 = tpu.vector_load %arg10[%get3A_318] {strides = array<i32>} : memref<100000xf32, #tpu.memory_space<vmem>>, vector<16xf32>,
      %add3A_320 = arith.addf %scan3A_300, %get3A_319 : vector<16xf32>
      %add3A_321 = arith.constant 32 : i32
      %add3A_322 = arith.addi %add3A_310, %add3A_321 : i32
      %get3A_323 = arith.index_cast %add3A_322 : i32 to index
      %get3A_324 = tpu.vector_load %arg10[%get3A_323] {strides = array<i32>} : memref<100000xf32, #tpu.memory_space<vmem>>, vector<16xf32>,
      %add3A_325 = arith.addf %scan3A_301, %get3A_324 : vector<16xf32>
      %add3A_326 = arith.constant 48 : i32
      %add3A_327 = arith.addi %add3A_310, %add3A_326 : i32
      %get3A_328 = arith.index_cast %add3A_327 : i32 to index
      %get3A_329 = tpu.vector_load %arg10[%get3A_328] {strides = array<i32>} : memref<100000xf32, #tpu.memory_space<vmem>>, vector<16xf32>,
      %add3A_330 = arith.addf %scan3A_302, %get3A_329 : vector<16xf32>
      %add3A_331 = arith.constant 64 : i32
      %add3A_332 = arith.addi %add3A_310, %add3A_331 : i32
      %get3A_333 = arith.index_cast %add3A_332 : i32 to index
      %get3A_334 = tpu.vector_load %arg10[%get3A_333] {strides = array<i32>} : memref<100000xf32, #tpu.memory_space<vmem>>, vector<16xf32>,
      %add3A_335 = arith.addf %scan3A_303, %get3A_334 : vector<16xf32>
      %add3A_336 = arith.constant 80 : i32
      %add3A_337 = arith.addi %add3A_310, %add3A_336 : i32
      %get3A_338 = arith.index_cast %add3A_337 : i32 to index
      %get3A_339 = tpu.vector_load %arg10[%get3A_338] {strides = array<i32>} : memref<100000xf32, #tpu.memory_space<vmem>>, vector<16xf32>,
      %add3A_340 = arith.addf %scan3A_304, %get3A_339 : vector<16xf32>
      %add3A_341 = arith.constant 96 : i32
      %add3A_342 = arith.addi %add3A_310, %add3A_341 : i32
      %get3A_343 = arith.index_cast %add3A_342 : i32 to index
      %get3A_344 = tpu.vector_load %arg10[%get3A_343] {strides = array<i32>} : memref<100000xf32, #tpu.memory_space<vmem>>, vector<16xf32>,
      %add3A_345 = arith.addf %scan3A_305, %get3A_344 : vector<16xf32>
      %add3A_346 = arith.constant 112 : i32
      %add3A_347 = arith.addi %add3A_310, %add3A_346 : i32
      %get3A_348 = arith.index_cast %add3A_347 : i32 to index
      %get3A_349 = tpu.vector_load %arg10[%get3A_348] {strides = array<i32>} : memref<100000xf32, #tpu.memory_space<vmem>>, vector<16xf32>,
      %add3A_350 = arith.addf %scan3A_306, %get3A_349 : vector<16xf32>
      scf.yield %add3A_315, %add3A_320, %add3A_325, %add3A_330, %add3A_335, %add3A_340, %add3A_345, %add3A_350 : vector<16xf32>, vector<16xf32>, vector<16xf32>, vector<16xf32>, vector<16xf32>, vector<16xf32>, vector<16xf32>, vector<16xf32>
    }
    %scan3A_96 = arith.constant 260 : i32
    %dma_wait3A_97 = arith.constant 33280 : i32
    %dma_wait3A_98 = tpu.memref_slice %arg10[%dma_wait3A_97] : memref<100000xf32, #tpu.memory_space<vmem>> -> memref<33280xf32, #tpu.memory_space<vmem>>
    %dma_wait3A_99 = arith.constant 0 : i32
    %dma_wait3A_100 = tpu.memref_slice %arg3[%mul3A_2, %dma_wait3A_99] : memref<64x100000xf32, #tpu.memory_space<hbm>> -> memref<1x100000xf32, #tpu.memory_space<hbm>>
    %dma_wait3A_101 = tpu.memref_squeeze %dma_wait3A_100 : memref<1x100000xf32, #tpu.memory_space<hbm>> -> memref<100000xf32, #tpu.memory_space<hbm>>
    %dma_wait3A_102 = arith.constant 33280 : i32
    %dma_wait3A_103 = tpu.memref_slice %dma_wait3A_101[%dma_wait3A_102] : memref<100000xf32, #tpu.memory_space<hbm>> -> memref<33280xf32, #tpu.memory_space<hbm>>
    %dma_wait3A_104 = arith.constant 33280 : i32
    %dma_wait3A_105 = tpu.memref_slice %arg10[%dma_wait3A_104] : memref<100000xf32, #tpu.memory_space<vmem>> -> memref<33280xf32, #tpu.memory_space<vmem>>
    %dma_wait3A_106 = arith.constant 0 : i32
    %dma_wait3A_107 = tpu.memref_slice %arg3[%mul3A_2, %dma_wait3A_106] : memref<64x100000xf32, #tpu.memory_space<hbm>> -> memref<1x100000xf32, #tpu.memory_space<hbm>>
    %dma_wait3A_108 = tpu.memref_squeeze %dma_wait3A_107 : memref<1x100000xf32, #tpu.memory_space<hbm>> -> memref<100000xf32, #tpu.memory_space<hbm>>
    %dma_wait3A_109 = arith.constant 33280 : i32
    %dma_wait3A_110 = tpu.memref_slice %dma_wait3A_108[%dma_wait3A_109] : memref<100000xf32, #tpu.memory_space<hbm>> -> memref<33280xf32, #tpu.memory_space<hbm>>
    tpu.wait_dma2 semaphore(%arg18 : memref<!tpu.dma_semaphore, #tpu.memory_space<semaphore_mem>>) src(%dma_wait3A_110 : memref<33280xf32, #tpu.memory_space<hbm>>) dst(%dma_wait3A_105 : memref<33280xf32, #tpu.memory_space<vmem>>)
    %scan3A_111 = arith.constant 0 : i32
    %scan3A_112 = arith.constant 260 : i32
    %scan3A_113 = arith.addi %scan3A_111, %scan3A_112 : i32
    %scan3A_114 = arith.constant 1 : i32
    %scan3A_115:8 = scf.for %scan3A_298 = %scan3A_111 to %scan3A_113 step %scan3A_114 iter_args(%scan3A_299 = %scan3A_95#0, %scan3A_300 = %scan3A_95#1, %scan3A_301 = %scan3A_95#2, %scan3A_302 = %scan3A_95#3, %scan3A_303 = %scan3A_95#4, %scan3A_304 = %scan3A_95#5, %scan3A_305 = %scan3A_95#6, %scan3A_306 = %scan3A_95#7) -> (vector<16xf32>, vector<16xf32>, vector<16xf32>, vector<16xf32>, vector<16xf32>, vector<16xf32>, vector<16xf32>, vector<16xf32>)  : i32 {
      %mul3A_307 = arith.constant 128 : i32
      %mul3A_308 = arith.muli %scan3A_298, %mul3A_307 : i32
      %add3A_309 = arith.constant 33280 : i32
      %add3A_310 = arith.addi %add3A_309, %mul3A_308 : i32
      %add3A_311 = arith.constant 0 : i32
      %add3A_312 = arith.addi %add3A_310, %add3A_311 : i32
      %get3A_313 = arith.index_cast %add3A_312 : i32 to index
      %get3A_314 = tpu.vector_load %arg10[%get3A_313] {strides = array<i32>} : memref<100000xf32, #tpu.memory_space<vmem>>, vector<16xf32>,
      %add3A_315 = arith.addf %scan3A_299, %get3A_314 : vector<16xf32>
      %add3A_316 = arith.constant 16 : i32
      %add3A_317 = arith.addi %add3A_310, %add3A_316 : i32
      %get3A_318 = arith.index_cast %add3A_317 : i32 to index
      %get3A_319 = tpu.vector_load %arg10[%get3A_318] {strides = array<i32>} : memref<100000xf32, #tpu.memory_space<vmem>>, vector<16xf32>,
      %add3A_320 = arith.addf %scan3A_300, %get3A_319 : vector<16xf32>
      %add3A_321 = arith.constant 32 : i32
      %add3A_322 = arith.addi %add3A_310, %add3A_321 : i32
      %get3A_323 = arith.index_cast %add3A_322 : i32 to index
      %get3A_324 = tpu.vector_load %arg10[%get3A_323] {strides = array<i32>} : memref<100000xf32, #tpu.memory_space<vmem>>, vector<16xf32>,
      %add3A_325 = arith.addf %scan3A_301, %get3A_324 : vector<16xf32>
      %add3A_326 = arith.constant 48 : i32
      %add3A_327 = arith.addi %add3A_310, %add3A_326 : i32
      %get3A_328 = arith.index_cast %add3A_327 : i32 to index
      %get3A_329 = tpu.vector_load %arg10[%get3A_328] {strides = array<i32>} : memref<100000xf32, #tpu.memory_space<vmem>>, vector<16xf32>,
      %add3A_330 = arith.addf %scan3A_302, %get3A_329 : vector<16xf32>
      %add3A_331 = arith.constant 64 : i32
      %add3A_332 = arith.addi %add3A_310, %add3A_331 : i32
      %get3A_333 = arith.index_cast %add3A_332 : i32 to index
      %get3A_334 = tpu.vector_load %arg10[%get3A_333] {strides = array<i32>} : memref<100000xf32, #tpu.memory_space<vmem>>, vector<16xf32>,
      %add3A_335 = arith.addf %scan3A_303, %get3A_334 : vector<16xf32>
      %add3A_336 = arith.constant 80 : i32
      %add3A_337 = arith.addi %add3A_310, %add3A_336 : i32
      %get3A_338 = arith.index_cast %add3A_337 : i32 to index
      %get3A_339 = tpu.vector_load %arg10[%get3A_338] {strides = array<i32>} : memref<100000xf32, #tpu.memory_space<vmem>>, vector<16xf32>,
      %add3A_340 = arith.addf %scan3A_304, %get3A_339 : vector<16xf32>
      %add3A_341 = arith.constant 96 : i32
      %add3A_342 = arith.addi %add3A_310, %add3A_341 : i32
      %get3A_343 = arith.index_cast %add3A_342 : i32 to index
      %get3A_344 = tpu.vector_load %arg10[%get3A_343] {strides = array<i32>} : memref<100000xf32, #tpu.memory_space<vmem>>, vector<16xf32>,
      %add3A_345 = arith.addf %scan3A_305, %get3A_344 : vector<16xf32>
      %add3A_346 = arith.constant 112 : i32
      %add3A_347 = arith.addi %add3A_310, %add3A_346 : i32
      %get3A_348 = arith.index_cast %add3A_347 : i32 to index
      %get3A_349 = tpu.vector_load %arg10[%get3A_348] {strides = array<i32>} : memref<100000xf32, #tpu.memory_space<vmem>>, vector<16xf32>,
      %add3A_350 = arith.addf %scan3A_306, %get3A_349 : vector<16xf32>
      scf.yield %add3A_315, %add3A_320, %add3A_325, %add3A_330, %add3A_335, %add3A_340, %add3A_345, %add3A_350 : vector<16xf32>, vector<16xf32>, vector<16xf32>, vector<16xf32>, vector<16xf32>, vector<16xf32>, vector<16xf32>, vector<16xf32>
    }
    %scan3A_116 = arith.constant 260 : i32
    %dma_wait3A_117 = arith.constant 66560 : i32
    %dma_wait3A_118 = tpu.memref_slice %arg10[%dma_wait3A_117] : memref<100000xf32, #tpu.memory_space<vmem>> -> memref<33408xf32, #tpu.memory_space<vmem>>
    %dma_wait3A_119 = arith.constant 0 : i32
    %dma_wait3A_120 = tpu.memref_slice %arg3[%mul3A_2, %dma_wait3A_119] : memref<64x100000xf32, #tpu.memory_space<hbm>> -> memref<1x100000xf32, #tpu.memory_space<hbm>>
    %dma_wait3A_121 = tpu.memref_squeeze %dma_wait3A_120 : memref<1x100000xf32, #tpu.memory_space<hbm>> -> memref<100000xf32, #tpu.memory_space<hbm>>
    %dma_wait3A_122 = arith.constant 66560 : i32
    %dma_wait3A_123 = tpu.memref_slice %dma_wait3A_121[%dma_wait3A_122] : memref<100000xf32, #tpu.memory_space<hbm>> -> memref<33408xf32, #tpu.memory_space<hbm>>
    %dma_wait3A_124 = arith.constant 66560 : i32
    %dma_wait3A_125 = tpu.memref_slice %arg10[%dma_wait3A_124] : memref<100000xf32, #tpu.memory_space<vmem>> -> memref<33408xf32, #tpu.memory_space<vmem>>
    %dma_wait3A_126 = arith.constant 0 : i32
    %dma_wait3A_127 = tpu.memref_slice %arg3[%mul3A_2, %dma_wait3A_126] : memref<64x100000xf32, #tpu.memory_space<hbm>> -> memref<1x100000xf32, #tpu.memory_space<hbm>>
    %dma_wait3A_128 = tpu.memref_squeeze %dma_wait3A_127 : memref<1x100000xf32, #tpu.memory_space<hbm>> -> memref<100000xf32, #tpu.memory_space<hbm>>
    %dma_wait3A_129 = arith.constant 66560 : i32
    %dma_wait3A_130 = tpu.memref_slice %dma_wait3A_128[%dma_wait3A_129] : memref<100000xf32, #tpu.memory_space<hbm>> -> memref<33408xf32, #tpu.memory_space<hbm>>
    tpu.wait_dma2 semaphore(%arg19 : memref<!tpu.dma_semaphore, #tpu.memory_space<semaphore_mem>>) src(%dma_wait3A_130 : memref<33408xf32, #tpu.memory_space<hbm>>) dst(%dma_wait3A_125 : memref<33408xf32, #tpu.memory_space<vmem>>)
    %scan3A_131 = arith.constant 0 : i32
    %scan3A_132 = arith.constant 261 : i32
    %scan3A_133 = arith.addi %scan3A_131, %scan3A_132 : i32
    %scan3A_134 = arith.constant 1 : i32
    %scan3A_135:8 = scf.for %scan3A_298 = %scan3A_131 to %scan3A_133 step %scan3A_134 iter_args(%scan3A_299 = %scan3A_115#0, %scan3A_300 = %scan3A_115#1, %scan3A_301 = %scan3A_115#2, %scan3A_302 = %scan3A_115#3, %scan3A_303 = %scan3A_115#4, %scan3A_304 = %scan3A_115#5, %scan3A_305 = %scan3A_115#6, %scan3A_306 = %scan3A_115#7) -> (vector<16xf32>, vector<16xf32>, vector<16xf32>, vector<16xf32>, vector<16xf32>, vector<16xf32>, vector<16xf32>, vector<16xf32>)  : i32 {
      %mul3A_307 = arith.constant 128 : i32
      %mul3A_308 = arith.muli %scan3A_298, %mul3A_307 : i32
      %add3A_309 = arith.constant 66560 : i32
      %add3A_310 = arith.addi %add3A_309, %mul3A_308 : i32
      %add3A_311 = arith.constant 0 : i32
      %add3A_312 = arith.addi %add3A_310, %add3A_311 : i32
      %get3A_313 = arith.index_cast %add3A_312 : i32 to index
      %get3A_314 = tpu.vector_load %arg10[%get3A_313] {strides = array<i32>} : memref<100000xf32, #tpu.memory_space<vmem>>, vector<16xf32>,
      %add3A_315 = arith.addf %scan3A_299, %get3A_314 : vector<16xf32>
      %add3A_316 = arith.constant 16 : i32
      %add3A_317 = arith.addi %add3A_310, %add3A_316 : i32
      %get3A_318 = arith.index_cast %add3A_317 : i32 to index
      %get3A_319 = tpu.vector_load %arg10[%get3A_318] {strides = array<i32>} : memref<100000xf32, #tpu.memory_space<vmem>>, vector<16xf32>,
      %add3A_320 = arith.addf %scan3A_300, %get3A_319 : vector<16xf32>
      %add3A_321 = arith.constant 32 : i32
      %add3A_322 = arith.addi %add3A_310, %add3A_321 : i32
      %get3A_323 = arith.index_cast %add3A_322 : i32 to index
      %get3A_324 = tpu.vector_load %arg10[%get3A_323] {strides = array<i32>} : memref<100000xf32, #tpu.memory_space<vmem>>, vector<16xf32>,
      %add3A_325 = arith.addf %scan3A_301, %get3A_324 : vector<16xf32>
      %add3A_326 = arith.constant 48 : i32
      %add3A_327 = arith.addi %add3A_310, %add3A_326 : i32
      %get3A_328 = arith.index_cast %add3A_327 : i32 to index
      %get3A_329 = tpu.vector_load %arg10[%get3A_328] {strides = array<i32>} : memref<100000xf32, #tpu.memory_space<vmem>>, vector<16xf32>,
      %add3A_330 = arith.addf %scan3A_302, %get3A_329 : vector<16xf32>
      %add3A_331 = arith.constant 64 : i32
      %add3A_332 = arith.addi %add3A_310, %add3A_331 : i32
      %get3A_333 = arith.index_cast %add3A_332 : i32 to index
      %get3A_334 = tpu.vector_load %arg10[%get3A_333] {strides = array<i32>} : memref<100000xf32, #tpu.memory_space<vmem>>, vector<16xf32>,
      %add3A_335 = arith.addf %scan3A_303, %get3A_334 : vector<16xf32>
      %add3A_336 = arith.constant 80 : i32
      %add3A_337 = arith.addi %add3A_310, %add3A_336 : i32
      %get3A_338 = arith.index_cast %add3A_337 : i32 to index
      %get3A_339 = tpu.vector_load %arg10[%get3A_338] {strides = array<i32>} : memref<100000xf32, #tpu.memory_space<vmem>>, vector<16xf32>,
      %add3A_340 = arith.addf %scan3A_304, %get3A_339 : vector<16xf32>
      %add3A_341 = arith.constant 96 : i32
      %add3A_342 = arith.addi %add3A_310, %add3A_341 : i32
      %get3A_343 = arith.index_cast %add3A_342 : i32 to index
      %get3A_344 = tpu.vector_load %arg10[%get3A_343] {strides = array<i32>} : memref<100000xf32, #tpu.memory_space<vmem>>, vector<16xf32>,
      %add3A_345 = arith.addf %scan3A_305, %get3A_344 : vector<16xf32>
      %add3A_346 = arith.constant 112 : i32
      %add3A_347 = arith.addi %add3A_310, %add3A_346 : i32
      %get3A_348 = arith.index_cast %add3A_347 : i32 to index
      %get3A_349 = tpu.vector_load %arg10[%get3A_348] {strides = array<i32>} : memref<100000xf32, #tpu.memory_space<vmem>>, vector<16xf32>,
      %add3A_350 = arith.addf %scan3A_306, %get3A_349 : vector<16xf32>
      scf.yield %add3A_315, %add3A_320, %add3A_325, %add3A_330, %add3A_335, %add3A_340, %add3A_345, %add3A_350 : vector<16xf32>, vector<16xf32>, vector<16xf32>, vector<16xf32>, vector<16xf32>, vector<16xf32>, vector<16xf32>, vector<16xf32>
    }
    %scan3A_136 = arith.constant 261 : i32
    %dma_wait3A_137 = arith.constant 99968 : i32
    %dma_wait3A_138 = tpu.memref_slice %arg10[%dma_wait3A_137] : memref<100000xf32, #tpu.memory_space<vmem>> -> memref<32xf32, #tpu.memory_space<vmem>>
    %dma_wait3A_139 = tpu.memref_slice %arg4[%mul3A_45] : memref<2048xf32, #tpu.memory_space<hbm>> -> memref<32xf32, #tpu.memory_space<hbm>>
    %dma_wait3A_140 = arith.constant 99968 : i32
    %dma_wait3A_141 = tpu.memref_slice %arg10[%dma_wait3A_140] : memref<100000xf32, #tpu.memory_space<vmem>> -> memref<32xf32, #tpu.memory_space<vmem>>
    %dma_wait3A_142 = tpu.memref_slice %arg4[%mul3A_45] : memref<2048xf32, #tpu.memory_space<hbm>> -> memref<32xf32, #tpu.memory_space<hbm>>
    tpu.wait_dma2 semaphore(%arg20 : memref<!tpu.dma_semaphore, #tpu.memory_space<semaphore_mem>>) src(%dma_wait3A_142 : memref<32xf32, #tpu.memory_space<hbm>>) dst(%dma_wait3A_141 : memref<32xf32, #tpu.memory_space<vmem>>)
    %get3A = arith.constant 99968 : index
    %get3A_143 = tpu.vector_load %arg10[%get3A] {strides = array<i32>} : memref<100000xf32, #tpu.memory_space<vmem>>, vector<16xf32>,
    %add3A_144 = arith.addf %scan3A_135#0, %get3A_143 : vector<16xf32>
    %get3A_145 = arith.constant 99984 : index
    %get3A_146 = tpu.vector_load %arg10[%get3A_145] {strides = array<i32>} : memref<100000xf32, #tpu.memory_space<vmem>>, vector<16xf32>,
    %add3A_147 = arith.addf %scan3A_135#1, %get3A_146 : vector<16xf32>
    %scan3A_148 = arith.constant 0 : i32
    %scan3A_149 = arith.constant 0 : i32
    %scan3A_150 = arith.constant 64 : i32
    %scan3A_151 = arith.addi %scan3A_149, %scan3A_150 : i32
    %scan3A_152 = arith.constant 1 : i32
    %scan3A_153 = scf.for %scan3A_298 = %scan3A_149 to %scan3A_151 step %scan3A_152 iter_args(%scan3A_299 = %scan3A_148) -> (i32)  : i32 {
      %broadcast_in_dim3A_300 = arith.constant 0.000000e+00 : f32
      %broadcast_in_dim3A_301 = vector.broadcast %broadcast_in_dim3A_300 : f32 to vector<16xf32>
      %mul3A_302 = arith.constant 16 : i32
      %mul3A_303 = arith.muli %scan3A_298, %mul3A_302 : i32
      %add3A_304 = arith.constant 0 : i32
      %add3A_305 = arith.addi %add3A_304, %mul3A_303 : i32
      %get3A_306 = arith.index_cast %add3A_305 : i32 to index
      %get3A_307 = tpu.vector_load %arg12[%get3A_306] {strides = array<i32>} : memref<5120xi32, #tpu.memory_space<vmem>>, vector<16xi32>,
      %gather3A = tpu.vector_load_idx %arg10[%get3A_307] : memref<100000xf32, #tpu.memory_space<vmem>>[vector<16xi32>], vector<16xf32>,
      %add3A_308 = arith.addf %broadcast_in_dim3A_301, %gather3A : vector<16xf32>
      %mul3A_309 = arith.constant 16 : i32
      %mul3A_310 = arith.muli %scan3A_298, %mul3A_309 : i32
      %add3A_311 = arith.constant 1024 : i32
      %add3A_312 = arith.addi %add3A_311, %mul3A_310 : i32
      %get3A_313 = arith.index_cast %add3A_312 : i32 to index
      %get3A_314 = tpu.vector_load %arg12[%get3A_313] {strides = array<i32>} : memref<5120xi32, #tpu.memory_space<vmem>>, vector<16xi32>,
      %gather3A_315 = tpu.vector_load_idx %arg10[%get3A_314] : memref<100000xf32, #tpu.memory_space<vmem>>[vector<16xi32>], vector<16xf32>,
      %add3A_316 = arith.addf %add3A_308, %gather3A_315 : vector<16xf32>
      %mul3A_317 = arith.constant 16 : i32
      %mul3A_318 = arith.muli %scan3A_298, %mul3A_317 : i32
      %add3A_319 = arith.constant 2048 : i32
      %add3A_320 = arith.addi %add3A_319, %mul3A_318 : i32
      %get3A_321 = arith.index_cast %add3A_320 : i32 to index
      %get3A_322 = tpu.vector_load %arg12[%get3A_321] {strides = array<i32>} : memref<5120xi32, #tpu.memory_space<vmem>>, vector<16xi32>,
      %gather3A_323 = tpu.vector_load_idx %arg10[%get3A_322] : memref<100000xf32, #tpu.memory_space<vmem>>[vector<16xi32>], vector<16xf32>,
      %add3A_324 = arith.addf %add3A_316, %gather3A_323 : vector<16xf32>
      %mul3A_325 = arith.constant 16 : i32
      %mul3A_326 = arith.muli %scan3A_298, %mul3A_325 : i32
      %add3A_327 = arith.constant 3072 : i32
      %add3A_328 = arith.addi %add3A_327, %mul3A_326 : i32
      %get3A_329 = arith.index_cast %add3A_328 : i32 to index
      %get3A_330 = tpu.vector_load %arg12[%get3A_329] {strides = array<i32>} : memref<5120xi32, #tpu.memory_space<vmem>>, vector<16xi32>,
      %gather3A_331 = tpu.vector_load_idx %arg10[%get3A_330] : memref<100000xf32, #tpu.memory_space<vmem>>[vector<16xi32>], vector<16xf32>,
      %add3A_332 = arith.addf %add3A_324, %gather3A_331 : vector<16xf32>
      %mul3A_333 = arith.constant 16 : i32
      %mul3A_334 = arith.muli %scan3A_298, %mul3A_333 : i32
      %add3A_335 = arith.constant 4096 : i32
      %add3A_336 = arith.addi %add3A_335, %mul3A_334 : i32
      %get3A_337 = arith.index_cast %add3A_336 : i32 to index
      %get3A_338 = tpu.vector_load %arg12[%get3A_337] {strides = array<i32>} : memref<5120xi32, #tpu.memory_space<vmem>>, vector<16xi32>,
      %gather3A_339 = tpu.vector_load_idx %arg10[%get3A_338] : memref<100000xf32, #tpu.memory_space<vmem>>[vector<16xi32>], vector<16xf32>,
      %add3A_340 = arith.addf %add3A_332, %gather3A_339 : vector<16xf32>
      %mul3A_341 = arith.constant 2.000000e-01 : f32
      %mul3A_342 = vector.broadcast %mul3A_341 : f32 to vector<16xf32>
      %mul3A_343 = arith.mulf %add3A_340, %mul3A_342 : vector<16xf32>
      %mul3A_344 = arith.constant 16 : i32
      %mul3A_345 = arith.muli %scan3A_298, %mul3A_344 : i32
      %swap3A_346 = arith.index_cast %mul3A_345 : i32 to index
      %swap3A_347 = tpu.vector_load %arg13[%swap3A_346] {strides = array<i32>} : memref<1024xf32, #tpu.memory_space<vmem>>, vector<16xf32>,
      tpu.vector_store %arg13[%swap3A_346], %mul3A_343 {strides = array<i32>} : memref<1024xf32, #tpu.memory_space<vmem>>, vector<16xf32>,
      %scan3A_348 = arith.constant 0 : i32
      scf.yield %scan3A_348 : i32
    }
    %scan3A_154 = arith.constant 64 : i32
    %add3A_155 = arith.constant 1 : i32
    %add3A_156 = arith.addi %add3A_77, %add3A_155 : i32
    %dma_start3A_157 = arith.constant 0 : i32
    %dma_start3A_158 = tpu.memref_slice %arg10[%dma_start3A_157] : memref<100000xf32, #tpu.memory_space<vmem>> -> memref<33280xf32, #tpu.memory_space<vmem>>
    %dma_start3A_159 = arith.constant 0 : i32
    %dma_start3A_160 = tpu.memref_slice %arg3[%add3A_156, %dma_start3A_159] : memref<64x100000xf32, #tpu.memory_space<hbm>> -> memref<1x100000xf32, #tpu.memory_space<hbm>>
    %dma_start3A_161 = tpu.memref_squeeze %dma_start3A_160 : memref<1x100000xf32, #tpu.memory_space<hbm>> -> memref<100000xf32, #tpu.memory_space<hbm>>
    %dma_start3A_162 = arith.constant 0 : i32
    %dma_start3A_163 = tpu.memref_slice %dma_start3A_161[%dma_start3A_162] : memref<100000xf32, #tpu.memory_space<hbm>> -> memref<33280xf32, #tpu.memory_space<hbm>>
    %dma_start3A_164 = arith.constant 0 : i32
    %dma_start3A_165 = tpu.memref_slice %arg10[%dma_start3A_164] : memref<100000xf32, #tpu.memory_space<vmem>> -> memref<33280xf32, #tpu.memory_space<vmem>>
    %dma_start3A_166 = arith.constant 0 : i32
    %dma_start3A_167 = tpu.memref_slice %arg3[%add3A_156, %dma_start3A_166] : memref<64x100000xf32, #tpu.memory_space<hbm>> -> memref<1x100000xf32, #tpu.memory_space<hbm>>
    %dma_start3A_168 = tpu.memref_squeeze %dma_start3A_167 : memref<1x100000xf32, #tpu.memory_space<hbm>> -> memref<100000xf32, #tpu.memory_space<hbm>>
    %dma_start3A_169 = arith.constant 0 : i32
    %dma_start3A_170 = tpu.memref_slice %dma_start3A_168[%dma_start3A_169] : memref<100000xf32, #tpu.memory_space<hbm>> -> memref<33280xf32, #tpu.memory_space<hbm>>
    tpu.enqueue_dma source(%dma_start3A_170 : memref<33280xf32, #tpu.memory_space<hbm>>) target(%dma_start3A_165 : memref<33280xf32, #tpu.memory_space<vmem>>) target_semaphore(%arg17 : memref<!tpu.dma_semaphore, #tpu.memory_space<semaphore_mem>>)
    %dma_start3A_171 = arith.constant 33280 : i32
    %dma_start3A_172 = tpu.memref_slice %arg10[%dma_start3A_171] : memref<100000xf32, #tpu.memory_space<vmem>> -> memref<33280xf32, #tpu.memory_space<vmem>>
    %dma_start3A_173 = arith.constant 0 : i32
    %dma_start3A_174 = tpu.memref_slice %arg3[%add3A_156, %dma_start3A_173] : memref<64x100000xf32, #tpu.memory_space<hbm>> -> memref<1x100000xf32, #tpu.memory_space<hbm>>
    %dma_start3A_175 = tpu.memref_squeeze %dma_start3A_174 : memref<1x100000xf32, #tpu.memory_space<hbm>> -> memref<100000xf32, #tpu.memory_space<hbm>>
    %dma_start3A_176 = arith.constant 33280 : i32
    %dma_start3A_177 = tpu.memref_slice %dma_start3A_175[%dma_start3A_176] : memref<100000xf32, #tpu.memory_space<hbm>> -> memref<33280xf32, #tpu.memory_space<hbm>>
    %dma_start3A_178 = arith.constant 33280 : i32
    %dma_start3A_179 = tpu.memref_slice %arg10[%dma_start3A_178] : memref<100000xf32, #tpu.memory_space<vmem>> -> memref<33280xf32, #tpu.memory_space<vmem>>
    %dma_start3A_180 = arith.constant 0 : i32
    %dma_start3A_181 = tpu.memref_slice %arg3[%add3A_156, %dma_start3A_180] : memref<64x100000xf32, #tpu.memory_space<hbm>> -> memref<1x100000xf32, #tpu.memory_space<hbm>>
    %dma_start3A_182 = tpu.memref_squeeze %dma_start3A_181 : memref<1x100000xf32, #tpu.memory_space<hbm>> -> memref<100000xf32, #tpu.memory_space<hbm>>
    %dma_start3A_183 = arith.constant 33280 : i32
    %dma_start3A_184 = tpu.memref_slice %dma_start3A_182[%dma_start3A_183] : memref<100000xf32, #tpu.memory_space<hbm>> -> memref<33280xf32, #tpu.memory_space<hbm>>
    tpu.enqueue_dma source(%dma_start3A_184 : memref<33280xf32, #tpu.memory_space<hbm>>) target(%dma_start3A_179 : memref<33280xf32, #tpu.memory_space<vmem>>) target_semaphore(%arg18 : memref<!tpu.dma_semaphore, #tpu.memory_space<semaphore_mem>>)
    %dma_start3A_185 = arith.constant 66560 : i32
    %dma_start3A_186 = tpu.memref_slice %arg10[%dma_start3A_185] : memref<100000xf32, #tpu.memory_space<vmem>> -> memref<33408xf32, #tpu.memory_space<vmem>>
    %dma_start3A_187 = arith.constant 0 : i32
    %dma_start3A_188 = tpu.memref_slice %arg3[%add3A_156, %dma_start3A_187] : memref<64x100000xf32, #tpu.memory_space<hbm>> -> memref<1x100000xf32, #tpu.memory_space<hbm>>
    %dma_start3A_189 = tpu.memref_squeeze %dma_start3A_188 : memref<1x100000xf32, #tpu.memory_space<hbm>> -> memref<100000xf32, #tpu.memory_space<hbm>>
    %dma_start3A_190 = arith.constant 66560 : i32
    %dma_start3A_191 = tpu.memref_slice %dma_start3A_189[%dma_start3A_190] : memref<100000xf32, #tpu.memory_space<hbm>> -> memref<33408xf32, #tpu.memory_space<hbm>>
    %dma_start3A_192 = arith.constant 66560 : i32
    %dma_start3A_193 = tpu.memref_slice %arg10[%dma_start3A_192] : memref<100000xf32, #tpu.memory_space<vmem>> -> memref<33408xf32, #tpu.memory_space<vmem>>
    %dma_start3A_194 = arith.constant 0 : i32
    %dma_start3A_195 = tpu.memref_slice %arg3[%add3A_156, %dma_start3A_194] : memref<64x100000xf32, #tpu.memory_space<hbm>> -> memref<1x100000xf32, #tpu.memory_space<hbm>>
    %dma_start3A_196 = tpu.memref_squeeze %dma_start3A_195 : memref<1x100000xf32, #tpu.memory_space<hbm>> -> memref<100000xf32, #tpu.memory_space<hbm>>
    %dma_start3A_197 = arith.constant 66560 : i32
    %dma_start3A_198 = tpu.memref_slice %dma_start3A_196[%dma_start3A_197] : memref<100000xf32, #tpu.memory_space<hbm>> -> memref<33408xf32, #tpu.memory_space<hbm>>
    tpu.enqueue_dma source(%dma_start3A_198 : memref<33408xf32, #tpu.memory_space<hbm>>) target(%dma_start3A_193 : memref<33408xf32, #tpu.memory_space<vmem>>) target_semaphore(%arg19 : memref<!tpu.dma_semaphore, #tpu.memory_space<semaphore_mem>>)
    %mul3A_199 = arith.constant 32 : i32
    %mul3A_200 = arith.muli %add3A_156, %mul3A_199 : i32
    %dma_start3A_201 = arith.constant 99968 : i32
    %dma_start3A_202 = tpu.memref_slice %arg10[%dma_start3A_201] : memref<100000xf32, #tpu.memory_space<vmem>> -> memref<32xf32, #tpu.memory_space<vmem>>
    %dma_start3A_203 = tpu.memref_slice %arg4[%mul3A_200] : memref<2048xf32, #tpu.memory_space<hbm>> -> memref<32xf32, #tpu.memory_space<hbm>>
    %dma_start3A_204 = arith.constant 99968 : i32
    %dma_start3A_205 = tpu.memref_slice %arg10[%dma_start3A_204] : memref<100000xf32, #tpu.memory_space<vmem>> -> memref<32xf32, #tpu.memory_space<vmem>>
    %dma_start3A_206 = tpu.memref_slice %arg4[%mul3A_200] : memref<2048xf32, #tpu.memory_space<hbm>> -> memref<32xf32, #tpu.memory_space<hbm>>
    tpu.enqueue_dma source(%dma_start3A_206 : memref<32xf32, #tpu.memory_space<hbm>>) target(%dma_start3A_205 : memref<32xf32, #tpu.memory_space<vmem>>) target_semaphore(%arg20 : memref<!tpu.dma_semaphore, #tpu.memory_space<semaphore_mem>>)
    "tpu.region"() ({
      %run_scoped3A = tpu.sem_alloc : memref<!tpu.dma_semaphore, #tpu.memory_space<semaphore_mem>>
      %dma_start3A_298 = arith.constant 0 : i32
      %dma_start3A_299 = tpu.memref_slice %arg8[%add3A_77, %dma_start3A_298] : memref<64x1024xf32, #tpu.memory_space<hbm>> -> memref<1x1024xf32, #tpu.memory_space<hbm>>
      %dma_start3A_300 = tpu.memref_squeeze %dma_start3A_299 : memref<1x1024xf32, #tpu.memory_space<hbm>> -> memref<1024xf32, #tpu.memory_space<hbm>>
      %dma_start3A_301 = arith.constant 0 : i32
      %dma_start3A_302 = tpu.memref_slice %arg8[%add3A_77, %dma_start3A_301] : memref<64x1024xf32, #tpu.memory_space<hbm>> -> memref<1x1024xf32, #tpu.memory_space<hbm>>
      %dma_start3A_303 = tpu.memref_squeeze %dma_start3A_302 : memref<1x1024xf32, #tpu.memory_space<hbm>> -> memref<1024xf32, #tpu.memory_space<hbm>>
      tpu.enqueue_dma source(%arg13 : memref<1024xf32, #tpu.memory_space<vmem>>) target(%dma_start3A_303 : memref<1024xf32, #tpu.memory_space<hbm>>) target_semaphore(%run_scoped3A : memref<!tpu.dma_semaphore, #tpu.memory_space<semaphore_mem>>)
      %dma_wait3A_304 = arith.constant 0 : i32
      %dma_wait3A_305 = tpu.memref_slice %arg8[%add3A_77, %dma_wait3A_304] : memref<64x1024xf32, #tpu.memory_space<hbm>> -> memref<1x1024xf32, #tpu.memory_space<hbm>>
      %dma_wait3A_306 = tpu.memref_squeeze %dma_wait3A_305 : memref<1x1024xf32, #tpu.memory_space<hbm>> -> memref<1024xf32, #tpu.memory_space<hbm>>
      %dma_wait3A_307 = arith.constant 0 : i32
      %dma_wait3A_308 = tpu.memref_slice %arg8[%add3A_77, %dma_wait3A_307] : memref<64x1024xf32, #tpu.memory_space<hbm>> -> memref<1x1024xf32, #tpu.memory_space<hbm>>
      %dma_wait3A_309 = tpu.memref_squeeze %dma_wait3A_308 : memref<1x1024xf32, #tpu.memory_space<hbm>> -> memref<1024xf32, #tpu.memory_space<hbm>>
      tpu.wait_dma2 semaphore(%run_scoped3A : memref<!tpu.dma_semaphore, #tpu.memory_space<semaphore_mem>>) src(%arg13 : memref<1024xf32, #tpu.memory_space<vmem>>) dst(%dma_wait3A_309 : memref<1024xf32, #tpu.memory_space<hbm>>)
      tpu.yield
    }) : () -> ()
    %mul3A_207 = arith.constant 2 : i32
    %mul3A_208 = arith.muli %add3A, %mul3A_207 : i32
    %add3A_209 = arith.constant 1 : i32
    %add3A_210 = arith.addi %mul3A_208, %add3A_209 : i32
    %dma_wait3A_211 = arith.constant 0 : i32
    %dma_wait3A_212 = tpu.memref_slice %arg10[%dma_wait3A_211] : memref<100000xf32, #tpu.memory_space<vmem>> -> memref<33280xf32, #tpu.memory_space<vmem>>
    %dma_wait3A_213 = arith.constant 0 : i32
    %dma_wait3A_214 = tpu.memref_slice %arg3[%add3A_156, %dma_wait3A_213] : memref<64x100000xf32, #tpu.memory_space<hbm>> -> memref<1x100000xf32, #tpu.memory_space<hbm>>
    %dma_wait3A_215 = tpu.memref_squeeze %dma_wait3A_214 : memref<1x100000xf32, #tpu.memory_space<hbm>> -> memref<100000xf32, #tpu.memory_space<hbm>>
    %dma_wait3A_216 = arith.constant 0 : i32
    %dma_wait3A_217 = tpu.memref_slice %dma_wait3A_215[%dma_wait3A_216] : memref<100000xf32, #tpu.memory_space<hbm>> -> memref<33280xf32, #tpu.memory_space<hbm>>
    %dma_wait3A_218 = arith.constant 0 : i32
    %dma_wait3A_219 = tpu.memref_slice %arg10[%dma_wait3A_218] : memref<100000xf32, #tpu.memory_space<vmem>> -> memref<33280xf32, #tpu.memory_space<vmem>>
    %dma_wait3A_220 = arith.constant 0 : i32
    %dma_wait3A_221 = tpu.memref_slice %arg3[%add3A_156, %dma_wait3A_220] : memref<64x100000xf32, #tpu.memory_space<hbm>> -> memref<1x100000xf32, #tpu.memory_space<hbm>>
    %dma_wait3A_222 = tpu.memref_squeeze %dma_wait3A_221 : memref<1x100000xf32, #tpu.memory_space<hbm>> -> memref<100000xf32, #tpu.memory_space<hbm>>
    %dma_wait3A_223 = arith.constant 0 : i32
    %dma_wait3A_224 = tpu.memref_slice %dma_wait3A_222[%dma_wait3A_223] : memref<100000xf32, #tpu.memory_space<hbm>> -> memref<33280xf32, #tpu.memory_space<hbm>>
    tpu.wait_dma2 semaphore(%arg17 : memref<!tpu.dma_semaphore, #tpu.memory_space<semaphore_mem>>) src(%dma_wait3A_224 : memref<33280xf32, #tpu.memory_space<hbm>>) dst(%dma_wait3A_219 : memref<33280xf32, #tpu.memory_space<vmem>>)
    %scan3A_225 = arith.constant 0 : i32
    %scan3A_226 = arith.constant 260 : i32
    %scan3A_227 = arith.addi %scan3A_225, %scan3A_226 : i32
    %scan3A_228 = arith.constant 1 : i32
    %scan3A_229:8 = scf.for %scan3A_298 = %scan3A_225 to %scan3A_227 step %scan3A_228 iter_args(%scan3A_299 = %add3A_144, %scan3A_300 = %add3A_147, %scan3A_301 = %scan3A_135#2, %scan3A_302 = %scan3A_135#3, %scan3A_303 = %scan3A_135#4, %scan3A_304 = %scan3A_135#5, %scan3A_305 = %scan3A_135#6, %scan3A_306 = %scan3A_135#7) -> (vector<16xf32>, vector<16xf32>, vector<16xf32>, vector<16xf32>, vector<16xf32>, vector<16xf32>, vector<16xf32>, vector<16xf32>)  : i32 {
      %mul3A_307 = arith.constant 128 : i32
      %mul3A_308 = arith.muli %scan3A_298, %mul3A_307 : i32
      %add3A_309 = arith.constant 0 : i32
      %add3A_310 = arith.addi %add3A_309, %mul3A_308 : i32
      %add3A_311 = arith.constant 0 : i32
      %add3A_312 = arith.addi %add3A_310, %add3A_311 : i32
      %get3A_313 = arith.index_cast %add3A_312 : i32 to index
      %get3A_314 = tpu.vector_load %arg10[%get3A_313] {strides = array<i32>} : memref<100000xf32, #tpu.memory_space<vmem>>, vector<16xf32>,
      %add3A_315 = arith.addf %scan3A_299, %get3A_314 : vector<16xf32>
      %add3A_316 = arith.constant 16 : i32
      %add3A_317 = arith.addi %add3A_310, %add3A_316 : i32
      %get3A_318 = arith.index_cast %add3A_317 : i32 to index
      %get3A_319 = tpu.vector_load %arg10[%get3A_318] {strides = array<i32>} : memref<100000xf32, #tpu.memory_space<vmem>>, vector<16xf32>,
      %add3A_320 = arith.addf %scan3A_300, %get3A_319 : vector<16xf32>
      %add3A_321 = arith.constant 32 : i32
      %add3A_322 = arith.addi %add3A_310, %add3A_321 : i32
      %get3A_323 = arith.index_cast %add3A_322 : i32 to index
      %get3A_324 = tpu.vector_load %arg10[%get3A_323] {strides = array<i32>} : memref<100000xf32, #tpu.memory_space<vmem>>, vector<16xf32>,
      %add3A_325 = arith.addf %scan3A_301, %get3A_324 : vector<16xf32>
      %add3A_326 = arith.constant 48 : i32
      %add3A_327 = arith.addi %add3A_310, %add3A_326 : i32
      %get3A_328 = arith.index_cast %add3A_327 : i32 to index
      %get3A_329 = tpu.vector_load %arg10[%get3A_328] {strides = array<i32>} : memref<100000xf32, #tpu.memory_space<vmem>>, vector<16xf32>,
      %add3A_330 = arith.addf %scan3A_302, %get3A_329 : vector<16xf32>
      %add3A_331 = arith.constant 64 : i32
      %add3A_332 = arith.addi %add3A_310, %add3A_331 : i32
      %get3A_333 = arith.index_cast %add3A_332 : i32 to index
      %get3A_334 = tpu.vector_load %arg10[%get3A_333] {strides = array<i32>} : memref<100000xf32, #tpu.memory_space<vmem>>, vector<16xf32>,
      %add3A_335 = arith.addf %scan3A_303, %get3A_334 : vector<16xf32>
      %add3A_336 = arith.constant 80 : i32
      %add3A_337 = arith.addi %add3A_310, %add3A_336 : i32
      %get3A_338 = arith.index_cast %add3A_337 : i32 to index
      %get3A_339 = tpu.vector_load %arg10[%get3A_338] {strides = array<i32>} : memref<100000xf32, #tpu.memory_space<vmem>>, vector<16xf32>,
      %add3A_340 = arith.addf %scan3A_304, %get3A_339 : vector<16xf32>
      %add3A_341 = arith.constant 96 : i32
      %add3A_342 = arith.addi %add3A_310, %add3A_341 : i32
      %get3A_343 = arith.index_cast %add3A_342 : i32 to index
      %get3A_344 = tpu.vector_load %arg10[%get3A_343] {strides = array<i32>} : memref<100000xf32, #tpu.memory_space<vmem>>, vector<16xf32>,
      %add3A_345 = arith.addf %scan3A_305, %get3A_344 : vector<16xf32>
      %add3A_346 = arith.constant 112 : i32
      %add3A_347 = arith.addi %add3A_310, %add3A_346 : i32
      %get3A_348 = arith.index_cast %add3A_347 : i32 to index
      %get3A_349 = tpu.vector_load %arg10[%get3A_348] {strides = array<i32>} : memref<100000xf32, #tpu.memory_space<vmem>>, vector<16xf32>,
      %add3A_350 = arith.addf %scan3A_306, %get3A_349 : vector<16xf32>
      scf.yield %add3A_315, %add3A_320, %add3A_325, %add3A_330, %add3A_335, %add3A_340, %add3A_345, %add3A_350 : vector<16xf32>, vector<16xf32>, vector<16xf32>, vector<16xf32>, vector<16xf32>, vector<16xf32>, vector<16xf32>, vector<16xf32>
    }
    %scan3A_230 = arith.constant 260 : i32
    %dma_wait3A_231 = arith.constant 33280 : i32
    %dma_wait3A_232 = tpu.memref_slice %arg10[%dma_wait3A_231] : memref<100000xf32, #tpu.memory_space<vmem>> -> memref<33280xf32, #tpu.memory_space<vmem>>
    %dma_wait3A_233 = arith.constant 0 : i32
    %dma_wait3A_234 = tpu.memref_slice %arg3[%add3A_156, %dma_wait3A_233] : memref<64x100000xf32, #tpu.memory_space<hbm>> -> memref<1x100000xf32, #tpu.memory_space<hbm>>
    %dma_wait3A_235 = tpu.memref_squeeze %dma_wait3A_234 : memref<1x100000xf32, #tpu.memory_space<hbm>> -> memref<100000xf32, #tpu.memory_space<hbm>>
    %dma_wait3A_236 = arith.constant 33280 : i32
    %dma_wait3A_237 = tpu.memref_slice %dma_wait3A_235[%dma_wait3A_236] : memref<100000xf32, #tpu.memory_space<hbm>> -> memref<33280xf32, #tpu.memory_space<hbm>>
    %dma_wait3A_238 = arith.constant 33280 : i32
    %dma_wait3A_239 = tpu.memref_slice %arg10[%dma_wait3A_238] : memref<100000xf32, #tpu.memory_space<vmem>> -> memref<33280xf32, #tpu.memory_space<vmem>>
    %dma_wait3A_240 = arith.constant 0 : i32
    %dma_wait3A_241 = tpu.memref_slice %arg3[%add3A_156, %dma_wait3A_240] : memref<64x100000xf32, #tpu.memory_space<hbm>> -> memref<1x100000xf32, #tpu.memory_space<hbm>>
    %dma_wait3A_242 = tpu.memref_squeeze %dma_wait3A_241 : memref<1x100000xf32, #tpu.memory_space<hbm>> -> memref<100000xf32, #tpu.memory_space<hbm>>
    %dma_wait3A_243 = arith.constant 33280 : i32
    %dma_wait3A_244 = tpu.memref_slice %dma_wait3A_242[%dma_wait3A_243] : memref<100000xf32, #tpu.memory_space<hbm>> -> memref<33280xf32, #tpu.memory_space<hbm>>
    tpu.wait_dma2 semaphore(%arg18 : memref<!tpu.dma_semaphore, #tpu.memory_space<semaphore_mem>>) src(%dma_wait3A_244 : memref<33280xf32, #tpu.memory_space<hbm>>) dst(%dma_wait3A_239 : memref<33280xf32, #tpu.memory_space<vmem>>)
    %scan3A_245 = arith.constant 0 : i32
    %scan3A_246 = arith.constant 260 : i32
    %scan3A_247 = arith.addi %scan3A_245, %scan3A_246 : i32
    %scan3A_248 = arith.constant 1 : i32
    %scan3A_249:8 = scf.for %scan3A_298 = %scan3A_245 to %scan3A_247 step %scan3A_248 iter_args(%scan3A_299 = %scan3A_229#0, %scan3A_300 = %scan3A_229#1, %scan3A_301 = %scan3A_229#2, %scan3A_302 = %scan3A_229#3, %scan3A_303 = %scan3A_229#4, %scan3A_304 = %scan3A_229#5, %scan3A_305 = %scan3A_229#6, %scan3A_306 = %scan3A_229#7) -> (vector<16xf32>, vector<16xf32>, vector<16xf32>, vector<16xf32>, vector<16xf32>, vector<16xf32>, vector<16xf32>, vector<16xf32>)  : i32 {
      %mul3A_307 = arith.constant 128 : i32
      %mul3A_308 = arith.muli %scan3A_298, %mul3A_307 : i32
      %add3A_309 = arith.constant 33280 : i32
      %add3A_310 = arith.addi %add3A_309, %mul3A_308 : i32
      %add3A_311 = arith.constant 0 : i32
      %add3A_312 = arith.addi %add3A_310, %add3A_311 : i32
      %get3A_313 = arith.index_cast %add3A_312 : i32 to index
      %get3A_314 = tpu.vector_load %arg10[%get3A_313] {strides = array<i32>} : memref<100000xf32, #tpu.memory_space<vmem>>, vector<16xf32>,
      %add3A_315 = arith.addf %scan3A_299, %get3A_314 : vector<16xf32>
      %add3A_316 = arith.constant 16 : i32
      %add3A_317 = arith.addi %add3A_310, %add3A_316 : i32
      %get3A_318 = arith.index_cast %add3A_317 : i32 to index
      %get3A_319 = tpu.vector_load %arg10[%get3A_318] {strides = array<i32>} : memref<100000xf32, #tpu.memory_space<vmem>>, vector<16xf32>,
      %add3A_320 = arith.addf %scan3A_300, %get3A_319 : vector<16xf32>
      %add3A_321 = arith.constant 32 : i32
      %add3A_322 = arith.addi %add3A_310, %add3A_321 : i32
      %get3A_323 = arith.index_cast %add3A_322 : i32 to index
      %get3A_324 = tpu.vector_load %arg10[%get3A_323] {strides = array<i32>} : memref<100000xf32, #tpu.memory_space<vmem>>, vector<16xf32>,
      %add3A_325 = arith.addf %scan3A_301, %get3A_324 : vector<16xf32>
      %add3A_326 = arith.constant 48 : i32
      %add3A_327 = arith.addi %add3A_310, %add3A_326 : i32
      %get3A_328 = arith.index_cast %add3A_327 : i32 to index
      %get3A_329 = tpu.vector_load %arg10[%get3A_328] {strides = array<i32>} : memref<100000xf32, #tpu.memory_space<vmem>>, vector<16xf32>,
      %add3A_330 = arith.addf %scan3A_302, %get3A_329 : vector<16xf32>
      %add3A_331 = arith.constant 64 : i32
      %add3A_332 = arith.addi %add3A_310, %add3A_331 : i32
      %get3A_333 = arith.index_cast %add3A_332 : i32 to index
      %get3A_334 = tpu.vector_load %arg10[%get3A_333] {strides = array<i32>} : memref<100000xf32, #tpu.memory_space<vmem>>, vector<16xf32>,
      %add3A_335 = arith.addf %scan3A_303, %get3A_334 : vector<16xf32>
      %add3A_336 = arith.constant 80 : i32
      %add3A_337 = arith.addi %add3A_310, %add3A_336 : i32
      %get3A_338 = arith.index_cast %add3A_337 : i32 to index
      %get3A_339 = tpu.vector_load %arg10[%get3A_338] {strides = array<i32>} : memref<100000xf32, #tpu.memory_space<vmem>>, vector<16xf32>,
      %add3A_340 = arith.addf %scan3A_304, %get3A_339 : vector<16xf32>
      %add3A_341 = arith.constant 96 : i32
      %add3A_342 = arith.addi %add3A_310, %add3A_341 : i32
      %get3A_343 = arith.index_cast %add3A_342 : i32 to index
      %get3A_344 = tpu.vector_load %arg10[%get3A_343] {strides = array<i32>} : memref<100000xf32, #tpu.memory_space<vmem>>, vector<16xf32>,
      %add3A_345 = arith.addf %scan3A_305, %get3A_344 : vector<16xf32>
      %add3A_346 = arith.constant 112 : i32
      %add3A_347 = arith.addi %add3A_310, %add3A_346 : i32
      %get3A_348 = arith.index_cast %add3A_347 : i32 to index
      %get3A_349 = tpu.vector_load %arg10[%get3A_348] {strides = array<i32>} : memref<100000xf32, #tpu.memory_space<vmem>>, vector<16xf32>,
      %add3A_350 = arith.addf %scan3A_306, %get3A_349 : vector<16xf32>
      scf.yield %add3A_315, %add3A_320, %add3A_325, %add3A_330, %add3A_335, %add3A_340, %add3A_345, %add3A_350 : vector<16xf32>, vector<16xf32>, vector<16xf32>, vector<16xf32>, vector<16xf32>, vector<16xf32>, vector<16xf32>, vector<16xf32>
    }
    %scan3A_250 = arith.constant 260 : i32
    %dma_wait3A_251 = arith.constant 66560 : i32
    %dma_wait3A_252 = tpu.memref_slice %arg10[%dma_wait3A_251] : memref<100000xf32, #tpu.memory_space<vmem>> -> memref<33408xf32, #tpu.memory_space<vmem>>
    %dma_wait3A_253 = arith.constant 0 : i32
    %dma_wait3A_254 = tpu.memref_slice %arg3[%add3A_156, %dma_wait3A_253] : memref<64x100000xf32, #tpu.memory_space<hbm>> -> memref<1x100000xf32, #tpu.memory_space<hbm>>
    %dma_wait3A_255 = tpu.memref_squeeze %dma_wait3A_254 : memref<1x100000xf32, #tpu.memory_space<hbm>> -> memref<100000xf32, #tpu.memory_space<hbm>>
    %dma_wait3A_256 = arith.constant 66560 : i32
    %dma_wait3A_257 = tpu.memref_slice %dma_wait3A_255[%dma_wait3A_256] : memref<100000xf32, #tpu.memory_space<hbm>> -> memref<33408xf32, #tpu.memory_space<hbm>>
    %dma_wait3A_258 = arith.constant 66560 : i32
    %dma_wait3A_259 = tpu.memref_slice %arg10[%dma_wait3A_258] : memref<100000xf32, #tpu.memory_space<vmem>> -> memref<33408xf32, #tpu.memory_space<vmem>>
    %dma_wait3A_260 = arith.constant 0 : i32
    %dma_wait3A_261 = tpu.memref_slice %arg3[%add3A_156, %dma_wait3A_260] : memref<64x100000xf32, #tpu.memory_space<hbm>> -> memref<1x100000xf32, #tpu.memory_space<hbm>>
    %dma_wait3A_262 = tpu.memref_squeeze %dma_wait3A_261 : memref<1x100000xf32, #tpu.memory_space<hbm>> -> memref<100000xf32, #tpu.memory_space<hbm>>
    %dma_wait3A_263 = arith.constant 66560 : i32
    %dma_wait3A_264 = tpu.memref_slice %dma_wait3A_262[%dma_wait3A_263] : memref<100000xf32, #tpu.memory_space<hbm>> -> memref<33408xf32, #tpu.memory_space<hbm>>
    tpu.wait_dma2 semaphore(%arg19 : memref<!tpu.dma_semaphore, #tpu.memory_space<semaphore_mem>>) src(%dma_wait3A_264 : memref<33408xf32, #tpu.memory_space<hbm>>) dst(%dma_wait3A_259 : memref<33408xf32, #tpu.memory_space<vmem>>)
    %scan3A_265 = arith.constant 0 : i32
    %scan3A_266 = arith.constant 261 : i32
    %scan3A_267 = arith.addi %scan3A_265, %scan3A_266 : i32
    %scan3A_268 = arith.constant 1 : i32
    %scan3A_269:8 = scf.for %scan3A_298 = %scan3A_265 to %scan3A_267 step %scan3A_268 iter_args(%scan3A_299 = %scan3A_249#0, %scan3A_300 = %scan3A_249#1, %scan3A_301 = %scan3A_249#2, %scan3A_302 = %scan3A_249#3, %scan3A_303 = %scan3A_249#4, %scan3A_304 = %scan3A_249#5, %scan3A_305 = %scan3A_249#6, %scan3A_306 = %scan3A_249#7) -> (vector<16xf32>, vector<16xf32>, vector<16xf32>, vector<16xf32>, vector<16xf32>, vector<16xf32>, vector<16xf32>, vector<16xf32>)  : i32 {
      %mul3A_307 = arith.constant 128 : i32
      %mul3A_308 = arith.muli %scan3A_298, %mul3A_307 : i32
      %add3A_309 = arith.constant 66560 : i32
      %add3A_310 = arith.addi %add3A_309, %mul3A_308 : i32
      %add3A_311 = arith.constant 0 : i32
      %add3A_312 = arith.addi %add3A_310, %add3A_311 : i32
      %get3A_313 = arith.index_cast %add3A_312 : i32 to index
      %get3A_314 = tpu.vector_load %arg10[%get3A_313] {strides = array<i32>} : memref<100000xf32, #tpu.memory_space<vmem>>, vector<16xf32>,
      %add3A_315 = arith.addf %scan3A_299, %get3A_314 : vector<16xf32>
      %add3A_316 = arith.constant 16 : i32
      %add3A_317 = arith.addi %add3A_310, %add3A_316 : i32
      %get3A_318 = arith.index_cast %add3A_317 : i32 to index
      %get3A_319 = tpu.vector_load %arg10[%get3A_318] {strides = array<i32>} : memref<100000xf32, #tpu.memory_space<vmem>>, vector<16xf32>,
      %add3A_320 = arith.addf %scan3A_300, %get3A_319 : vector<16xf32>
      %add3A_321 = arith.constant 32 : i32
      %add3A_322 = arith.addi %add3A_310, %add3A_321 : i32
      %get3A_323 = arith.index_cast %add3A_322 : i32 to index
      %get3A_324 = tpu.vector_load %arg10[%get3A_323] {strides = array<i32>} : memref<100000xf32, #tpu.memory_space<vmem>>, vector<16xf32>,
      %add3A_325 = arith.addf %scan3A_301, %get3A_324 : vector<16xf32>
      %add3A_326 = arith.constant 48 : i32
      %add3A_327 = arith.addi %add3A_310, %add3A_326 : i32
      %get3A_328 = arith.index_cast %add3A_327 : i32 to index
      %get3A_329 = tpu.vector_load %arg10[%get3A_328] {strides = array<i32>} : memref<100000xf32, #tpu.memory_space<vmem>>, vector<16xf32>,
      %add3A_330 = arith.addf %scan3A_302, %get3A_329 : vector<16xf32>
      %add3A_331 = arith.constant 64 : i32
      %add3A_332 = arith.addi %add3A_310, %add3A_331 : i32
      %get3A_333 = arith.index_cast %add3A_332 : i32 to index
      %get3A_334 = tpu.vector_load %arg10[%get3A_333] {strides = array<i32>} : memref<100000xf32, #tpu.memory_space<vmem>>, vector<16xf32>,
      %add3A_335 = arith.addf %scan3A_303, %get3A_334 : vector<16xf32>
      %add3A_336 = arith.constant 80 : i32
      %add3A_337 = arith.addi %add3A_310, %add3A_336 : i32
      %get3A_338 = arith.index_cast %add3A_337 : i32 to index
      %get3A_339 = tpu.vector_load %arg10[%get3A_338] {strides = array<i32>} : memref<100000xf32, #tpu.memory_space<vmem>>, vector<16xf32>,
      %add3A_340 = arith.addf %scan3A_304, %get3A_339 : vector<16xf32>
      %add3A_341 = arith.constant 96 : i32
      %add3A_342 = arith.addi %add3A_310, %add3A_341 : i32
      %get3A_343 = arith.index_cast %add3A_342 : i32 to index
      %get3A_344 = tpu.vector_load %arg10[%get3A_343] {strides = array<i32>} : memref<100000xf32, #tpu.memory_space<vmem>>, vector<16xf32>,
      %add3A_345 = arith.addf %scan3A_305, %get3A_344 : vector<16xf32>
      %add3A_346 = arith.constant 112 : i32
      %add3A_347 = arith.addi %add3A_310, %add3A_346 : i32
      %get3A_348 = arith.index_cast %add3A_347 : i32 to index
      %get3A_349 = tpu.vector_load %arg10[%get3A_348] {strides = array<i32>} : memref<100000xf32, #tpu.memory_space<vmem>>, vector<16xf32>,
      %add3A_350 = arith.addf %scan3A_306, %get3A_349 : vector<16xf32>
      scf.yield %add3A_315, %add3A_320, %add3A_325, %add3A_330, %add3A_335, %add3A_340, %add3A_345, %add3A_350 : vector<16xf32>, vector<16xf32>, vector<16xf32>, vector<16xf32>, vector<16xf32>, vector<16xf32>, vector<16xf32>, vector<16xf32>
    }
    %scan3A_270 = arith.constant 261 : i32
    %dma_wait3A_271 = arith.constant 99968 : i32
    %dma_wait3A_272 = tpu.memref_slice %arg10[%dma_wait3A_271] : memref<100000xf32, #tpu.memory_space<vmem>> -> memref<32xf32, #tpu.memory_space<vmem>>
    %dma_wait3A_273 = tpu.memref_slice %arg4[%mul3A_200] : memref<2048xf32, #tpu.memory_space<hbm>> -> memref<32xf32, #tpu.memory_space<hbm>>
    %dma_wait3A_274 = arith.constant 99968 : i32
    %dma_wait3A_275 = tpu.memref_slice %arg10[%dma_wait3A_274] : memref<100000xf32, #tpu.memory_space<vmem>> -> memref<32xf32, #tpu.memory_space<vmem>>
    %dma_wait3A_276 = tpu.memref_slice %arg4[%mul3A_200] : memref<2048xf32, #tpu.memory_space<hbm>> -> memref<32xf32, #tpu.memory_space<hbm>>
    tpu.wait_dma2 semaphore(%arg20 : memref<!tpu.dma_semaphore, #tpu.memory_space<semaphore_mem>>) src(%dma_wait3A_276 : memref<32xf32, #tpu.memory_space<hbm>>) dst(%dma_wait3A_275 : memref<32xf32, #tpu.memory_space<vmem>>)
    %get3A_277 = arith.constant 99968 : index
    %get3A_278 = tpu.vector_load %arg10[%get3A_277] {strides = array<i32>} : memref<100000xf32, #tpu.memory_space<vmem>>, vector<16xf32>,
    %add3A_279 = arith.addf %scan3A_269#0, %get3A_278 : vector<16xf32>
    %get3A_280 = arith.constant 99984 : index
    %get3A_281 = tpu.vector_load %arg10[%get3A_280] {strides = array<i32>} : memref<100000xf32, #tpu.memory_space<vmem>>, vector<16xf32>,
    %add3A_282 = arith.addf %scan3A_269#1, %get3A_281 : vector<16xf32>
    %scan3A_283 = arith.constant 0 : i32
    %scan3A_284 = arith.constant 0 : i32
    %scan3A_285 = arith.constant 64 : i32
    %scan3A_286 = arith.addi %scan3A_284, %scan3A_285 : i32
    %scan3A_287 = arith.constant 1 : i32
    %scan3A_288 = scf.for %scan3A_298 = %scan3A_284 to %scan3A_286 step %scan3A_287 iter_args(%scan3A_299 = %scan3A_283) -> (i32)  : i32 {
      %broadcast_in_dim3A_300 = arith.constant 0.000000e+00 : f32
      %broadcast_in_dim3A_301 = vector.broadcast %broadcast_in_dim3A_300 : f32 to vector<16xf32>
      %mul3A_302 = arith.constant 16 : i32
      %mul3A_303 = arith.muli %scan3A_298, %mul3A_302 : i32
      %add3A_304 = arith.constant 0 : i32
      %add3A_305 = arith.addi %add3A_304, %mul3A_303 : i32
      %get3A_306 = arith.index_cast %add3A_305 : i32 to index
      %get3A_307 = tpu.vector_load %arg12[%get3A_306] {strides = array<i32>} : memref<5120xi32, #tpu.memory_space<vmem>>, vector<16xi32>,
      %gather3A = tpu.vector_load_idx %arg10[%get3A_307] : memref<100000xf32, #tpu.memory_space<vmem>>[vector<16xi32>], vector<16xf32>,
      %add3A_308 = arith.addf %broadcast_in_dim3A_301, %gather3A : vector<16xf32>
      %mul3A_309 = arith.constant 16 : i32
      %mul3A_310 = arith.muli %scan3A_298, %mul3A_309 : i32
      %add3A_311 = arith.constant 1024 : i32
      %add3A_312 = arith.addi %add3A_311, %mul3A_310 : i32
      %get3A_313 = arith.index_cast %add3A_312 : i32 to index
      %get3A_314 = tpu.vector_load %arg12[%get3A_313] {strides = array<i32>} : memref<5120xi32, #tpu.memory_space<vmem>>, vector<16xi32>,
      %gather3A_315 = tpu.vector_load_idx %arg10[%get3A_314] : memref<100000xf32, #tpu.memory_space<vmem>>[vector<16xi32>], vector<16xf32>,
      %add3A_316 = arith.addf %add3A_308, %gather3A_315 : vector<16xf32>
      %mul3A_317 = arith.constant 16 : i32
      %mul3A_318 = arith.muli %scan3A_298, %mul3A_317 : i32
      %add3A_319 = arith.constant 2048 : i32
      %add3A_320 = arith.addi %add3A_319, %mul3A_318 : i32
      %get3A_321 = arith.index_cast %add3A_320 : i32 to index
      %get3A_322 = tpu.vector_load %arg12[%get3A_321] {strides = array<i32>} : memref<5120xi32, #tpu.memory_space<vmem>>, vector<16xi32>,
      %gather3A_323 = tpu.vector_load_idx %arg10[%get3A_322] : memref<100000xf32, #tpu.memory_space<vmem>>[vector<16xi32>], vector<16xf32>,
      %add3A_324 = arith.addf %add3A_316, %gather3A_323 : vector<16xf32>
      %mul3A_325 = arith.constant 16 : i32
      %mul3A_326 = arith.muli %scan3A_298, %mul3A_325 : i32
      %add3A_327 = arith.constant 3072 : i32
      %add3A_328 = arith.addi %add3A_327, %mul3A_326 : i32
      %get3A_329 = arith.index_cast %add3A_328 : i32 to index
      %get3A_330 = tpu.vector_load %arg12[%get3A_329] {strides = array<i32>} : memref<5120xi32, #tpu.memory_space<vmem>>, vector<16xi32>,
      %gather3A_331 = tpu.vector_load_idx %arg10[%get3A_330] : memref<100000xf32, #tpu.memory_space<vmem>>[vector<16xi32>], vector<16xf32>,
      %add3A_332 = arith.addf %add3A_324, %gather3A_331 : vector<16xf32>
      %mul3A_333 = arith.constant 16 : i32
      %mul3A_334 = arith.muli %scan3A_298, %mul3A_333 : i32
      %add3A_335 = arith.constant 4096 : i32
      %add3A_336 = arith.addi %add3A_335, %mul3A_334 : i32
      %get3A_337 = arith.index_cast %add3A_336 : i32 to index
      %get3A_338 = tpu.vector_load %arg12[%get3A_337] {strides = array<i32>} : memref<5120xi32, #tpu.memory_space<vmem>>, vector<16xi32>,
      %gather3A_339 = tpu.vector_load_idx %arg10[%get3A_338] : memref<100000xf32, #tpu.memory_space<vmem>>[vector<16xi32>], vector<16xf32>,
      %add3A_340 = arith.addf %add3A_332, %gather3A_339 : vector<16xf32>
      %mul3A_341 = arith.constant 2.000000e-01 : f32
      %mul3A_342 = vector.broadcast %mul3A_341 : f32 to vector<16xf32>
      %mul3A_343 = arith.mulf %add3A_340, %mul3A_342 : vector<16xf32>
      %mul3A_344 = arith.constant 16 : i32
      %mul3A_345 = arith.muli %scan3A_298, %mul3A_344 : i32
      %swap3A_346 = arith.index_cast %mul3A_345 : i32 to index
      %swap3A_347 = tpu.vector_load %arg13[%swap3A_346] {strides = array<i32>} : memref<1024xf32, #tpu.memory_space<vmem>>, vector<16xf32>,
      tpu.vector_store %arg13[%swap3A_346], %mul3A_343 {strides = array<i32>} : memref<1024xf32, #tpu.memory_space<vmem>>, vector<16xf32>,
      %scan3A_348 = arith.constant 0 : i32
      scf.yield %scan3A_348 : i32
    }
    %scan3A_289 = arith.constant 64 : i32
    "tpu.region"() ({
      %run_scoped3A = tpu.sem_alloc : memref<!tpu.dma_semaphore, #tpu.memory_space<semaphore_mem>>
      %dma_start3A_298 = arith.constant 0 : i32
      %dma_start3A_299 = tpu.memref_slice %arg8[%add3A_210, %dma_start3A_298] : memref<64x1024xf32, #tpu.memory_space<hbm>> -> memref<1x1024xf32, #tpu.memory_space<hbm>>
      %dma_start3A_300 = tpu.memref_squeeze %dma_start3A_299 : memref<1x1024xf32, #tpu.memory_space<hbm>> -> memref<1024xf32, #tpu.memory_space<hbm>>
      %dma_start3A_301 = arith.constant 0 : i32
      %dma_start3A_302 = tpu.memref_slice %arg8[%add3A_210, %dma_start3A_301] : memref<64x1024xf32, #tpu.memory_space<hbm>> -> memref<1x1024xf32, #tpu.memory_space<hbm>>
      %dma_start3A_303 = tpu.memref_squeeze %dma_start3A_302 : memref<1x1024xf32, #tpu.memory_space<hbm>> -> memref<1024xf32, #tpu.memory_space<hbm>>
      tpu.enqueue_dma source(%arg13 : memref<1024xf32, #tpu.memory_space<vmem>>) target(%dma_start3A_303 : memref<1024xf32, #tpu.memory_space<hbm>>) target_semaphore(%run_scoped3A : memref<!tpu.dma_semaphore, #tpu.memory_space<semaphore_mem>>)
      %dma_wait3A_304 = arith.constant 0 : i32
      %dma_wait3A_305 = tpu.memref_slice %arg8[%add3A_210, %dma_wait3A_304] : memref<64x1024xf32, #tpu.memory_space<hbm>> -> memref<1x1024xf32, #tpu.memory_space<hbm>>
      %dma_wait3A_306 = tpu.memref_squeeze %dma_wait3A_305 : memref<1x1024xf32, #tpu.memory_space<hbm>> -> memref<1024xf32, #tpu.memory_space<hbm>>
      %dma_wait3A_307 = arith.constant 0 : i32
      %dma_wait3A_308 = tpu.memref_slice %arg8[%add3A_210, %dma_wait3A_307] : memref<64x1024xf32, #tpu.memory_space<hbm>> -> memref<1x1024xf32, #tpu.memory_space<hbm>>
      %dma_wait3A_309 = tpu.memref_squeeze %dma_wait3A_308 : memref<1x1024xf32, #tpu.memory_space<hbm>> -> memref<1024xf32, #tpu.memory_space<hbm>>
      tpu.wait_dma2 semaphore(%run_scoped3A : memref<!tpu.dma_semaphore, #tpu.memory_space<semaphore_mem>>) src(%arg13 : memref<1024xf32, #tpu.memory_space<vmem>>) dst(%dma_wait3A_309 : memref<1024xf32, #tpu.memory_space<hbm>>)
      tpu.yield
    }) : () -> ()
    %add3A_290 = arith.addf %add3A_279, %add3A_282 : vector<16xf32>
    %add3A_291 = arith.addf %add3A_290, %scan3A_269#2 : vector<16xf32>
    %add3A_292 = arith.addf %add3A_291, %scan3A_269#3 : vector<16xf32>
    %add3A_293 = arith.addf %add3A_292, %scan3A_269#4 : vector<16xf32>
    %add3A_294 = arith.addf %add3A_293, %scan3A_269#5 : vector<16xf32>
    %add3A_295 = arith.addf %add3A_294, %scan3A_269#6 : vector<16xf32>
    %add3A_296 = arith.addf %add3A_295, %scan3A_269#7 : vector<16xf32>
    %swap3A = arith.constant 0 : index
    %swap3A_297 = tpu.vector_load %arg15[%swap3A] {strides = array<i32>} : memref<16xf32, #tpu.memory_space<vmem>>, vector<16xf32>,
    tpu.vector_store %arg15[%swap3A], %add3A_296 {strides = array<i32>} : memref<16xf32, #tpu.memory_space<vmem>>, vector<16xf32>,
    "tpu.region"() ({
      %run_scoped3A = tpu.sem_alloc : memref<!tpu.dma_semaphore, #tpu.memory_space<semaphore_mem>>
      %dma_start3A_298 = arith.constant 0 : i32
      %dma_start3A_299 = tpu.memref_slice %arg9[%add3A, %dma_start3A_298] : memref<32x16xf32, #tpu.memory_space<hbm>> -> memref<1x16xf32, #tpu.memory_space<hbm>>
      %dma_start3A_300 = tpu.memref_squeeze %dma_start3A_299 : memref<1x16xf32, #tpu.memory_space<hbm>> -> memref<16xf32, #tpu.memory_space<hbm>>
      %dma_start3A_301 = arith.constant 0 : i32
      %dma_start3A_302 = tpu.memref_slice %arg9[%add3A, %dma_start3A_301] : memref<32x16xf32, #tpu.memory_space<hbm>> -> memref<1x16xf32, #tpu.memory_space<hbm>>
      %dma_start3A_303 = tpu.memref_squeeze %dma_start3A_302 : memref<1x16xf32, #tpu.memory_space<hbm>> -> memref<16xf32, #tpu.memory_space<hbm>>
      tpu.enqueue_dma source(%arg15 : memref<16xf32, #tpu.memory_space<vmem>>) target(%dma_start3A_303 : memref<16xf32, #tpu.memory_space<hbm>>) target_semaphore(%run_scoped3A : memref<!tpu.dma_semaphore, #tpu.memory_space<semaphore_mem>>)
      %dma_wait3A_304 = arith.constant 0 : i32
      %dma_wait3A_305 = tpu.memref_slice %arg9[%add3A, %dma_wait3A_304] : memref<32x16xf32, #tpu.memory_space<hbm>> -> memref<1x16xf32, #tpu.memory_space<hbm>>
      %dma_wait3A_306 = tpu.memref_squeeze %dma_wait3A_305 : memref<1x16xf32, #tpu.memory_space<hbm>> -> memref<16xf32, #tpu.memory_space<hbm>>
      %dma_wait3A_307 = arith.constant 0 : i32
      %dma_wait3A_308 = tpu.memref_slice %arg9[%add3A, %dma_wait3A_307] : memref<32x16xf32, #tpu.memory_space<hbm>> -> memref<1x16xf32, #tpu.memory_space<hbm>>
      %dma_wait3A_309 = tpu.memref_squeeze %dma_wait3A_308 : memref<1x16xf32, #tpu.memory_space<hbm>> -> memref<16xf32, #tpu.memory_space<hbm>>
      tpu.wait_dma2 semaphore(%run_scoped3A : memref<!tpu.dma_semaphore, #tpu.memory_space<semaphore_mem>>) src(%arg15 : memref<16xf32, #tpu.memory_space<vmem>>) dst(%dma_wait3A_309 : memref<16xf32, #tpu.memory_space<hbm>>)
      tpu.yield
    }) : () -> ()
    return
  }
}

module attributes {stable_mosaic.version = 14 : i64} {
  func.func @_rdsum_body(%arg0: i32, %arg1: memref<20000x128xf32, #tpu.memory_space<vmem>>, %arg2: memref<1x128xf32, #tpu.memory_space<vmem>>) attributes {dimension_semantics = [#tpu.dimension_semantics<arbitrary>], iteration_bounds = array<i64: 5>, scalar_prefetch = 0 : i64, scratch_operands = 0 : i64, tpu.core_type = #tpu.core_type<tc>, window_params = [{transform_indices = @transform_0, window_bounds = array<i64: 20000, 128>}, {pipeline_mode = #tpu.pipeline_mode<synchronous>, transform_indices = @transform_1, window_bounds = array<i64: 1, 128>}]} {
    %eq3A = arith.constant 0 : i32
    %eq3A_0 = arith.cmpi eq, %arg0, %eq3A : i32
    %convert_element_type3A = arith.extui %eq3A_0 : i1 to i32
    %cond3A = arith.constant 0 : i32
    %cond3A_1 = arith.cmpi ne, %convert_element_type3A, %cond3A : i32
    scf.if %cond3A_1 {
      %broadcast_in_dim3A_10 = arith.constant 0.000000e+00 : f32
      %broadcast_in_dim3A_11 = vector.broadcast %broadcast_in_dim3A_10 : f32 to vector<1x128xf32>
      %swap3A_12 = arith.constant 0 : index
      %swap3A_13 = arith.constant 0 : index
      %swap3A_14 = vector.load %arg2[%swap3A_12, %swap3A_13] : memref<1x128xf32, #tpu.memory_space<vmem>>, vector<1x128xf32>
      tpu.vector_store %arg2[%swap3A_12, %swap3A_13], %broadcast_in_dim3A_11 {strides = array<i32>} : memref<1x128xf32, #tpu.memory_space<vmem>>, vector<1x128xf32>,
    } else {
    }
    %get3A = arith.constant 0 : index
    %get3A_2 = arith.constant 0 : index
    %get3A_3 = vector.load %arg2[%get3A, %get3A_2] : memref<1x128xf32, #tpu.memory_space<vmem>>, vector<1x128xf32>
    %get3A_4 = arith.constant 0 : index
    %get3A_5 = arith.constant 0 : index
    %get3A_6 = vector.load %arg1[%get3A_4, %get3A_5] : memref<20000x128xf32, #tpu.memory_space<vmem>>, vector<20000x128xf32>
    %reduce_sum3A = arith.constant dense<0.000000e+00> : vector<128xf32>
    %reduce_sum3A_7 = vector.multi_reduction <add>, %get3A_6, %reduce_sum3A [0] : vector<20000x128xf32> to vector<128xf32>
    %broadcast_in_dim3A = vector.shape_cast %reduce_sum3A_7 : vector<128xf32> to vector<1x128xf32>
    %add3A = arith.addf %get3A_3, %broadcast_in_dim3A : vector<1x128xf32>
    %swap3A = arith.constant 0 : index
    %swap3A_8 = arith.constant 0 : index
    %swap3A_9 = vector.load %arg2[%swap3A, %swap3A_8] : memref<1x128xf32, #tpu.memory_space<vmem>>, vector<1x128xf32>
    tpu.vector_store %arg2[%swap3A, %swap3A_8], %add3A {strides = array<i32>} : memref<1x128xf32, #tpu.memory_space<vmem>>, vector<1x128xf32>,
    return
  }
  func.func @transform_0(%arg0: i32) -> (i32, i32) {
    %c0_i32 = arith.constant 0 : i32
    %c0_i32_0 = arith.constant 0 : i32
    return %arg0, %c0_i32 : i32, i32
  }
  func.func @transform_1(%arg0: i32) -> (i32, i32) {
    %c0_i32 = arith.constant 0 : i32
    %c0_i32_0 = arith.constant 0 : i32
    %c0_i32_1 = arith.constant 0 : i32
    return %c0_i32, %c0_i32_0 : i32, i32
  }
}

module attributes {stable_mosaic.version = 14 : i64} {
  func.func @_tc_body(%arg0: i32, %arg1: memref<64x128xf32, #tpu.memory_space<vmem>>, %arg2: memref<128x128xf32, #tpu.memory_space<vmem>>, %arg3: memref<64x128xf32, #tpu.memory_space<vmem>>, %arg4: memref<1x64xf32, #tpu.memory_space<vmem>>, %arg5: memref<32x16xf32, #tpu.memory_space<vmem>>, %arg6: memref<1x128xf32, #tpu.memory_space<vmem>>, %arg7: memref<128x64x128xf32, #tpu.memory_space<vmem>>, %arg8: memref<1x1xf32, #tpu.memory_space<vmem>>) attributes {dimension_semantics = [#tpu.dimension_semantics<arbitrary>], iteration_bounds = array<i64: 8>, scalar_prefetch = 0 : i64, scratch_operands = 0 : i64, tpu.core_type = #tpu.core_type<tc>, window_params = [{transform_indices = @transform_0, window_bounds = array<i64: 64, 128>}, {transform_indices = @transform_1, window_bounds = array<i64: 128, 128>}, {pipeline_mode = #tpu.pipeline_mode<synchronous>, transform_indices = @transform_2, window_bounds = array<i64: 64, 128>}, {pipeline_mode = #tpu.pipeline_mode<synchronous>, transform_indices = @transform_3, window_bounds = array<i64: 1, 64>}, {pipeline_mode = #tpu.pipeline_mode<synchronous>, transform_indices = @transform_4, window_bounds = array<i64: 32, 16>}, {pipeline_mode = #tpu.pipeline_mode<synchronous>, transform_indices = @transform_5, window_bounds = array<i64: 1, 128>}, {transform_indices = @transform_6, window_bounds = array<i64: 128, 64, 128>}, {pipeline_mode = #tpu.pipeline_mode<synchronous>, transform_indices = @transform_7, window_bounds = array<i64: 1, 1>}]} {
    %get3A = arith.constant 0 : index
    %get3A_0 = arith.constant 0 : index
    %get3A_1 = vector.load %arg1[%get3A, %get3A_0] : memref<64x128xf32, #tpu.memory_space<vmem>>, vector<64x128xf32>
    %transpose3A = tpu.transpose %get3A_1, [1, 0] : vector<64x128xf32> -> vector<128x64xf32>
    %get3A_2 = arith.constant 0 : index
    %get3A_3 = arith.constant 0 : index
    %get3A_4 = vector.load %arg2[%get3A_2, %get3A_3] : memref<128x128xf32, #tpu.memory_space<vmem>>, vector<128x128xf32>
    %get3A_5 = arith.constant 0 : index
    %get3A_6 = arith.constant 0 : index
    %get3A_7 = vector.load %arg3[%get3A_5, %get3A_6] : memref<64x128xf32, #tpu.memory_space<vmem>>, vector<64x128xf32>
    %get3A_8 = arith.constant 0 : index
    %get3A_9 = arith.constant 0 : index
    %get3A_10 = vector.load %arg4[%get3A_8, %get3A_9] : memref<1x64xf32, #tpu.memory_space<vmem>>, vector<1x64xf32>
    %transpose3A_11 = tpu.transpose %get3A_10, [1, 0] : vector<1x64xf32> -> vector<64x1xf32>
    %reshape3A = vector.shape_cast %transpose3A_11 : vector<64x1xf32> to vector<1x64x1xf32>
    %mul3A = arith.mulf %transpose3A, %transpose3A : vector<128x64xf32>
    %reduce_sum3A = arith.constant dense<0.000000e+00> : vector<128xf32>
    %reduce_sum3A_12 = vector.multi_reduction <add>, %mul3A, %reduce_sum3A [1] : vector<128x64xf32> to vector<128xf32>
    %broadcast_in_dim3A = vector.shape_cast %reduce_sum3A_12 : vector<128xf32> to vector<128x1xf32>
    %rsqrt3A = math.rsqrt %broadcast_in_dim3A : vector<128x1xf32>
    %mul3A_13 = vector.broadcast %rsqrt3A : vector<128x1xf32> to vector<128x64xf32>
    %mul3A_14 = arith.mulf %transpose3A, %mul3A_13 : vector<128x64xf32>
    %dot_general3A = arith.constant dense<0.000000e+00> : vector<128x128xf32>
    %dot_general3A_15 = tpu.matmul %mul3A_14, %get3A_7, %dot_general3A {dimension_numbers = #tpu.dot_dimension_numbers<[1], [0], [0], [1], [0, 0, 1, 1], [], []>, precision = #tpu.contract_precision<fp32>, transpose_lhs_hint = false} : vector<128x64xf32>, vector<64x128xf32>, vector<128x128xf32> -> vector<128x128xf32>
    %mul3A_16 = arith.constant 1.562500e-02 : f32
    %mul3A_17 = vector.broadcast %mul3A_16 : f32 to vector<128x128xf32>
    %mul3A_18 = arith.mulf %dot_general3A_15, %mul3A_17 : vector<128x128xf32>
    %mul3A_19 = arith.mulf %mul3A_14, %mul3A_14 : vector<128x64xf32>
    %mul3A_20 = arith.mulf %get3A_7, %get3A_7 : vector<64x128xf32>
    %dot_general3A_21 = arith.constant dense<0.000000e+00> : vector<128x128xf32>
    %dot_general3A_22 = tpu.matmul %mul3A_19, %mul3A_20, %dot_general3A_21 {dimension_numbers = #tpu.dot_dimension_numbers<[1], [0], [0], [1], [0, 0, 1, 1], [], []>, precision = #tpu.contract_precision<fp32>, transpose_lhs_hint = false} : vector<128x64xf32>, vector<64x128xf32>, vector<128x128xf32> -> vector<128x128xf32>
    %mul3A_23 = arith.constant 6.400000e+01 : f32
    %mul3A_24 = vector.broadcast %mul3A_23 : f32 to vector<128x128xf32>
    %mul3A_25 = arith.mulf %mul3A_24, %mul3A_18 : vector<128x128xf32>
    %mul3A_26 = arith.mulf %mul3A_25, %mul3A_18 : vector<128x128xf32>
    %sub3A = arith.subf %dot_general3A_22, %mul3A_26 : vector<128x128xf32>
    %mul3A_27 = arith.constant 0.0158730168 : f32
    %mul3A_28 = vector.broadcast %mul3A_27 : f32 to vector<128x128xf32>
    %mul3A_29 = arith.mulf %sub3A, %mul3A_28 : vector<128x128xf32>
    %sqrt3A = math.sqrt %mul3A_29 : vector<128x128xf32>
    %rsqrt3A_30 = math.rsqrt %sqrt3A : vector<128x128xf32>
    %mul3A_31 = arith.constant -1.44269502 : f32
    %mul3A_32 = vector.broadcast %mul3A_31 : f32 to vector<128x128xf32>
    %mul3A_33 = arith.mulf %get3A_4, %mul3A_32 : vector<128x128xf32>
    %broadcast_in_dim3A_34 = vector.shape_cast %get3A_7 : vector<64x128xf32> to vector<1x64x128xf32>
    %broadcast_in_dim3A_35 = vector.shape_cast %mul3A_14 : vector<128x64xf32> to vector<128x64x1xf32>
    %mul3A_36 = vector.broadcast %broadcast_in_dim3A_34 : vector<1x64x128xf32> to vector<128x64x128xf32>
    %mul3A_37 = vector.broadcast %broadcast_in_dim3A_35 : vector<128x64x1xf32> to vector<128x64x128xf32>
    %mul3A_38 = arith.mulf %mul3A_36, %mul3A_37 : vector<128x64x128xf32>
    %broadcast_in_dim3A_39 = vector.shape_cast %mul3A_18 : vector<128x128xf32> to vector<128x1x128xf32>
    %sub3A_40 = vector.broadcast %broadcast_in_dim3A_39 : vector<128x1x128xf32> to vector<128x64x128xf32>
    %sub3A_41 = arith.subf %mul3A_38, %sub3A_40 : vector<128x64x128xf32>
    %broadcast_in_dim3A_42 = vector.shape_cast %rsqrt3A_30 : vector<128x128xf32> to vector<128x1x128xf32>
    %mul3A_43 = vector.broadcast %broadcast_in_dim3A_42 : vector<128x1x128xf32> to vector<128x64x128xf32>
    %mul3A_44 = arith.mulf %sub3A_41, %mul3A_43 : vector<128x64x128xf32>
    %add3A = vector.broadcast %reshape3A : vector<1x64x1xf32> to vector<128x64x128xf32>
    %add3A_45 = arith.addf %mul3A_44, %add3A : vector<128x64x128xf32>
    %jit3A = arith.constant -1.000000e+00 : f32
    %jit3A_46 = arith.constant 1.000000e+00 : f32
    %max3A = vector.broadcast %jit3A : f32 to vector<128x64x128xf32>
    %max3A_47 = arith.maximumf %max3A, %add3A_45 : vector<128x64x128xf32>
    %min3A = vector.broadcast %jit3A_46 : f32 to vector<128x64x128xf32>
    %min3A_48 = arith.minimumf %min3A, %max3A_47 : vector<128x64x128xf32>
    %broadcast_in_dim3A_49 = vector.shape_cast %mul3A_33 : vector<128x128xf32> to vector<128x1x128xf32>
    %mul3A_50 = vector.broadcast %broadcast_in_dim3A_49 : vector<128x1x128xf32> to vector<128x64x128xf32>
    %mul3A_51 = arith.mulf %min3A_48, %mul3A_50 : vector<128x64x128xf32>
    %exp23A = math.exp2 %mul3A_51 : vector<128x64x128xf32>
    %add3A_52 = arith.constant 1.000000e+00 : f32
    %add3A_53 = vector.broadcast %add3A_52 : f32 to vector<128x64x128xf32>
    %add3A_54 = arith.addf %add3A_53, %exp23A : vector<128x64x128xf32>
    %log3A = math.log %add3A_54 : vector<128x64x128xf32>
    %mul3A_55 = arith.constant -1.000000e+01 : f32
    %mul3A_56 = vector.broadcast %mul3A_55 : f32 to vector<128x64x128xf32>
    %mul3A_57 = arith.mulf %log3A, %mul3A_56 : vector<128x64x128xf32>
    %swap3A = arith.constant 0 : index
    %swap3A_58 = arith.constant 0 : index
    %swap3A_59 = arith.constant 0 : index
    %swap3A_60 = vector.load %arg7[%swap3A, %swap3A_58, %swap3A_59] : memref<128x64x128xf32, #tpu.memory_space<vmem>>, vector<128x64x128xf32>
    tpu.vector_store %arg7[%swap3A, %swap3A_58, %swap3A_59], %mul3A_57 {strides = array<i32>} : memref<128x64x128xf32, #tpu.memory_space<vmem>>, vector<128x64x128xf32>,
    %get3A_61 = arith.constant 0 : index
    %get3A_62 = arith.constant 0 : index
    %get3A_63 = vector.load %arg5[%get3A_61, %get3A_62] : memref<32x16xf32, #tpu.memory_space<vmem>>, vector<32x16xf32>
    %reduce_sum3A_64 = vector.shape_cast %get3A_63 : vector<32x16xf32> to vector<1x32x16xf32>
    %reduce_sum3A_65 = arith.constant dense<0.000000e+00> : vector<1xf32>
    %reduce_sum3A_66 = vector.multi_reduction <add>, %reduce_sum3A_64, %reduce_sum3A_65 [1, 2] : vector<1x32x16xf32> to vector<1xf32>
    %reduce_sum3A_67 = vector.shape_cast %reduce_sum3A_66 : vector<1xf32> to vector<1x1x1xf32>
    %reduce_sum3A_68 = vector.extract %reduce_sum3A_67[0, 0, 0] : f32 from vector<1x1x1xf32>
    %get3A_69 = arith.constant 0 : index
    %get3A_70 = arith.constant 0 : index
    %get3A_71 = vector.load %arg6[%get3A_69, %get3A_70] : memref<1x128xf32, #tpu.memory_space<vmem>>, vector<1x128xf32>
    %reduce_sum3A_72 = vector.shape_cast %get3A_71 : vector<1x128xf32> to vector<1x1x128xf32>
    %reduce_sum3A_73 = arith.constant dense<0.000000e+00> : vector<1xf32>
    %reduce_sum3A_74 = vector.multi_reduction <add>, %reduce_sum3A_72, %reduce_sum3A_73 [1, 2] : vector<1x1x128xf32> to vector<1xf32>
    %reduce_sum3A_75 = vector.shape_cast %reduce_sum3A_74 : vector<1xf32> to vector<1x1x1xf32>
    %reduce_sum3A_76 = vector.extract %reduce_sum3A_75[0, 0, 0] : f32 from vector<1x1x1xf32>
    %add3A_77 = arith.addf %reduce_sum3A_68, %reduce_sum3A_76 : f32
    %reduce_sum3A_78 = vector.shape_cast %get3A_7 : vector<64x128xf32> to vector<1x64x128xf32>
    %reduce_sum3A_79 = arith.constant dense<0.000000e+00> : vector<1xf32>
    %reduce_sum3A_80 = vector.multi_reduction <add>, %reduce_sum3A_78, %reduce_sum3A_79 [1, 2] : vector<1x64x128xf32> to vector<1xf32>
    %reduce_sum3A_81 = vector.shape_cast %reduce_sum3A_80 : vector<1xf32> to vector<1x1x1xf32>
    %reduce_sum3A_82 = vector.extract %reduce_sum3A_81[0, 0, 0] : f32 from vector<1x1x1xf32>
    %add3A_83 = arith.addf %add3A_77, %reduce_sum3A_82 : f32
    %mul3A_84 = arith.constant 4.88281239E-6 : f32
    %mul3A_85 = arith.mulf %mul3A_84, %add3A_83 : f32
    %broadcast_in_dim3A_86 = vector.broadcast %mul3A_85 : f32 to vector<1x1xf32>
    %swap3A_87 = arith.constant 0 : index
    %swap3A_88 = arith.constant 0 : index
    %swap3A_89 = vector.load %arg8[%swap3A_87, %swap3A_88] : memref<1x1xf32, #tpu.memory_space<vmem>>, vector<1x1xf32>
    tpu.vector_store %arg8[%swap3A_87, %swap3A_88], %broadcast_in_dim3A_86 {strides = array<i32>} : memref<1x1xf32, #tpu.memory_space<vmem>>, vector<1x1xf32>,
    return
  }
  func.func @transform_0(%arg0: i32) -> (i32, i32) {
    %c0_i32 = arith.constant 0 : i32
    %c0_i32_0 = arith.constant 0 : i32
    return %c0_i32, %arg0 : i32, i32
  }
  func.func @transform_1(%arg0: i32) -> (i32, i32) {
    %c0_i32 = arith.constant 0 : i32
    %c0_i32_0 = arith.constant 0 : i32
    return %arg0, %c0_i32 : i32, i32
  }
  func.func @transform_2(%arg0: i32) -> (i32, i32) {
    %c0_i32 = arith.constant 0 : i32
    %c0_i32_0 = arith.constant 0 : i32
    %c0_i32_1 = arith.constant 0 : i32
    return %c0_i32, %c0_i32_0 : i32, i32
  }
  func.func @transform_3(%arg0: i32) -> (i32, i32) {
    %c0_i32 = arith.constant 0 : i32
    %c0_i32_0 = arith.constant 0 : i32
    %c0_i32_1 = arith.constant 0 : i32
    return %c0_i32, %c0_i32_0 : i32, i32
  }
  func.func @transform_4(%arg0: i32) -> (i32, i32) {
    %c0_i32 = arith.constant 0 : i32
    %c0_i32_0 = arith.constant 0 : i32
    %c0_i32_1 = arith.constant 0 : i32
    return %c0_i32, %c0_i32_0 : i32, i32
  }
  func.func @transform_5(%arg0: i32) -> (i32, i32) {
    %c0_i32 = arith.constant 0 : i32
    %c0_i32_0 = arith.constant 0 : i32
    %c0_i32_1 = arith.constant 0 : i32
    return %c0_i32, %c0_i32_0 : i32, i32
  }
  func.func @transform_6(%arg0: i32) -> (i32, i32, i32) {
    %c0_i32 = arith.constant 0 : i32
    %c0_i32_0 = arith.constant 0 : i32
    %c0_i32_1 = arith.constant 0 : i32
    return %arg0, %c0_i32, %c0_i32_0 : i32, i32, i32
  }
  func.func @transform_7(%arg0: i32) -> (i32, i32) {
    %c0_i32 = arith.constant 0 : i32
    %c0_i32_0 = arith.constant 0 : i32
    %c0_i32_1 = arith.constant 0 : i32
    return %c0_i32, %c0_i32_0 : i32, i32
  }
}

</mosaic_0001>

<sc_bundles>
// kernel: kernel.5.cloned.1.call-start
scs
__scs_entry_jumppad:
0x0: {  	(pc) =	sbr.rel $0x88, $3  }
0x1: {  	(tag) =	ssettag $0x0;
	lr =	simm.s32 $0x1  }
0x2: {  	[smem:$0x3F9B] =	sst lr;
	_ =	strace $0xD0000000  }
0x3: {  	_ = 	snop  }
0x4: {  	_ = 	snop  }
0x5: {  	_ = 	snop  }
0x6: {  	_ = 	snop  }
0x7: {  	_ = 	snop  }
__scs_overlays_trampoline_lowered:
0x8: {  	[smem:$0x3FAA] =	sst s0  }
0x9: {  	[smem:$0x3FAB] =	sst s1  }
0xa: {  	[smem:$0x3FAC] =	sst s2  }
0xb: {  	[smem:$0x3FAD] =	sst s3  }
0xc: {  	[smem:$0x3FAE] =	sst s4  }
0xd: {  	[smem:$0x3FAF] =	sst s5  }
0xe: {  	[smem:$0x3FB0] =	sst s6  }
0xf: {  	[smem:$0x3FB1] =	sst s7  }
0x10: {  	[smem:$0x3FB2] =	sst s8  }
0x11: {  	[smem:$0x3FB3] =	sst s9;
	s0 =	simm.s32 @!p0 $0x0  }
0x12: {  	s1 =	sld [smem:$0x3F99];
	s0 =	simm.s32 @p0 $0x1  }
0x13: {  	[smem:$0x3FB4] =	sst s0;
	s0 =	simm.s32 @!p1 $0x0  }
0x14: {  	s2 =	sld [smem:$0x3F98];
	s0 =	simm.s32 @p1 $0x1  }
0x15: {  	[smem:$0x3FB5] =	sst s0;
	s0 =	simm.s32 @!p2 $0x0  }
0x16: {  	s3 =	sld [smem:$0x3FDB];
	s0 =	simm.s32 @p2 $0x1  }
0x17: {  	s4 =	simm.s32 $0x1BF5;
	[smem:$0x3FB7] =	sst s0  }
0x18: {  	s0 =	sld [smem:$0x3F9A];
	_ =	swait.ge [sflag:s4], $0x0  }
0x19: {  	s7 =	sld [smem:$0x3F9B]  }
0x1a: {  	s8 =	sadd.s32 $0xFFFFE003, lr  }
0x1b: {  	s9 =	sadd.s32 $0xFFFFFEF7, lr;
	s5 =	simm.s32 $0xFFFFFFFF;
	p2 =	slt.u32 s8, $0xFFFFF086  }
0x1c: {  	p1 =	slt.u32 s9, $0xF7A;
	s5 =	simm.s32 @!p2 $0x0  }
0x1d: {  	s5 =	simm.s32 @p1 $0x1;
	p0 =	seq.s32 s7, s2  }
0x1e: {  	s7 =	smul.u32 @!p0 $0xF7A, s2;
	p2 =	seq.s32 @!p0 s5, $0x0  }
0x1f: {  	s9 =	smul.u32 $0xF7A, s1;
	s8 =	simm.s32 @!p0 $0x1BF5;
	p2 =	por !p2, p0  }
0x20: {  	[sflag:s8] =	ssyncset.s32 @!p0 $0xFFFFF086;
	s6 =	sadd.s32 @!p0 s3, s7;
	s7 =	simm.s32 @!p0 $0x108  }
0x21: {  	s3 =	sadd.s32 s3, s9;
	s6 =	sadd.s32 @!p0 $0x88, s6;
	s7 =	simm.s32 @p2 $0x1082  }
0x22: {  	[simem:s7], [sflag:s8] =	dma.local @!p0 [hbm:s6], $0xF7A  }
0x23: {  	s9 =	sor.u32 $0xD0000000, s2;
	s6 =	simm.s32 $0x108;
	_ =	swait.ge @!p0 [sflag:s8], $0x0  }
0x24: {  	s3 =	sadd.s32 $0x88, s3;
	s6 =	simm.s32 @!p1 $0x1082;
	[sflag:s4] =	ssyncset.s32 $0xFFFFF086  }
0x25: {  	[simem:s6], [sflag:s4] =	dma.local [hbm:s3], $0xF7A  }
0x26: {  	[smem:$0x3F9B] =	sst s1;
	(tag) =	ssettag s2;
	_ =	strace s9  }
0x27: {  	s1 =	sld [smem:$0x3FAB]  }
0x28: {  	s2 =	sld [smem:$0x3FAC]  }
0x29: {  	s4 =	sld [smem:$0x3FAE]  }
0x2a: {  	p0 =	seq.s32 s5, $0x0;
	s5 =	sld [smem:$0x3FAF]  }
0x2b: {  	s6 =	sld [smem:$0x3FB0]  }
0x2c: {  	s7 =	sld [smem:$0x3FB1]  }
0x2d: {  	s3 =	simm.s32 $0x108;
	s8 =	sld [smem:$0x3FB2]  }
0x2e: {  	s3 =	simm.s32 @!p0 $0x1082;
	s9 =	sld [smem:$0x3FB3]  }
0x2f: {  	lr =	sadd.s32 s0, s3;
	s0 =	sld [smem:$0x3FAA]  }
0x30: {  	s3 =	sld [smem:$0x3FAD]  }
0x31: {  	[smem:$0x3FB6] =	sst s10  }
0x32: {  	s10 =	sld [smem:$0x3FB4];
	_ =	sdelay $0x3  }
0x33: {  	p0 =	seq.s32 s10, $0x1;
	s10 =	sld [smem:$0x3FB6];
	_ =	sdelay $0x3  }
0x34: {  	[smem:$0x3FB6] =	sst s10  }
0x35: {  	s10 =	sld [smem:$0x3FB5];
	_ =	sdelay $0x3  }
0x36: {  	p1 =	seq.s32 s10, $0x1;
	s10 =	sld [smem:$0x3FB6];
	_ =	sdelay $0x3  }
0x37: {  	[smem:$0x3FB6] =	sst s10  }
0x38: {  	s10 =	sld [smem:$0x3FB7]  }
0x39: {  	_ = 	snop;
	(pc) =	sbr.ind lr, $3  }
0x3a: {  	_ = 	snop  }
0x3b: {  	_ = 	snop  }
0x3c: {  	p2 =	seq.s32 s10, $0x1;
	s10 =	sld [smem:$0x3FB6]  }
0x3d: {  	_ =	shalt  }
0x3e: {  	_ =	shalt  }
0x3f: {  	_ =	shalt  }
0x40: {  	_ =	shalt  }
0x41: {  	_ =	shalt  }
0x42: {  	_ =	shalt  }
0x43: {  	_ =	shalt  }
0x44: {  	_ =	shalt  }
0x45: {  	_ =	shalt  }
0x46: {  	_ =	shalt  }
0x47: {  	_ =	shalt  }
0x48: {  	_ =	shalt  }
0x49: {  	_ =	shalt  }
0x4a: {  	_ =	shalt  }
0x4b: {  	_ =	shalt  }
0x4c: {  	_ =	shalt  }
0x4d: {  	_ =	shalt  }
0x4e: {  	_ =	shalt  }
0x4f: {  	_ =	shalt  }
0x50: {  	_ =	shalt  }
0x51: {  	_ =	shalt  }
0x52: {  	_ =	shalt  }
0x53: {  	_ =	shalt  }
0x54: {  	_ =	shalt  }
0x55: {  	_ =	shalt  }
0x56: {  	_ =	shalt  }
0x57: {  	_ =	shalt  }
0x58: {  	_ =	shalt  }
0x59: {  	_ =	shalt  }
0x5a: {  	_ =	shalt  }
0x5b: {  	_ =	shalt  }
0x5c: {  	_ =	shalt  }
0x5d: {  	_ =	shalt  }
0x5e: {  	_ =	shalt  }
0x5f: {  	_ =	shalt  }
0x60: {  	_ =	shalt  }
0x61: {  	_ =	shalt  }
0x62: {  	_ =	shalt  }
0x63: {  	_ =	shalt  }
0x64: {  	_ =	shalt  }
0x65: {  	_ =	shalt  }
0x66: {  	_ =	shalt  }
0x67: {  	_ =	shalt  }
0x68: {  	_ =	shalt  }
0x69: {  	_ =	shalt  }
0x6a: {  	_ =	shalt  }
0x6b: {  	_ =	shalt  }
0x6c: {  	_ =	shalt  }
0x6d: {  	_ =	shalt  }
0x6e: {  	_ =	shalt  }
0x6f: {  	_ =	shalt  }
0x70: {  	_ =	shalt  }
0x71: {  	_ =	shalt  }
0x72: {  	_ =	shalt  }
0x73: {  	_ =	shalt  }
0x74: {  	_ =	shalt  }
0x75: {  	_ =	shalt  }
0x76: {  	_ =	shalt  }
0x77: {  	_ =	shalt  }
0x78: {  	_ =	shalt  }
0x79: {  	_ =	shalt  }
0x7a: {  	_ =	shalt  }
0x7b: {  	_ =	shalt  }
0x7c: {  	_ =	shalt  }
0x7d: {  	_ =	shalt  }
0x7e: {  	_ =	shalt  }
0x7f: {  	_ =	shalt  }
0x80: {  	_ =	shalt  }
0x81: {  	_ =	shalt  }
0x82: {  	_ =	shalt  }
0x83: {  	_ =	shalt  }
0x84: {  	_ =	shalt  }
0x85: {  	_ =	shalt  }
0x86: {  	_ =	shalt  }
0x87: {  	_ =	shalt  }
.Lfunc_end0:
.L_simem_size_0:
called_computation_lowered:
.L_overlay_start_0:
0x88: {  	s2 =	sld [smem:$0x3FD9]  }
0x89: {  	s3 =	sld [smem:$0x3FFE];
	_ =	sdelay $0x1  }
0x8a: {  	s1 =	srdreg.scid  }
0x8b: {  	s0 =	sand.u32 $0x1, s1  }
0x8c: {  	s14 =	sshll.u32 s0, $0xA;
	s2 =	sadd.s32 s3, s2  }
0x8d: {  	s2 =	sadd.s32 s2, s14  }
0x8e: {  	[smem:$0x3FC2] =	sst s2  }
0x8f: {  	_ = 	snop  }
0x90: {  	s2 =	sld [smem:$0x3FD0]  }
0x91: {  	s15 =	sld [smem:$0x3FC9]  }
0x92: {  	s4 =	sld [smem:$0x3FC8]  }
0x93: {  	s6 =	simm.s32 $0xA;
	s7 =	simm.s32 $0x10;
	s5 =	sld [smem:$0x3FC5]  }
0x94: {  	[smem:s7], [sflag:s6] =	dma.local [hbm:s2], $0x1  }
0x95: {  	_ =	swait.eq [sflag:s6], $0x1  }
0x96: {  	[sflag:s6] =	ssyncset.done $0x0  }
0x97: {  	[sflag:s6] =	ssyncadd.s32 $0xFFFFFFFF  }
0x98: {  	s16 =	sld [smem:$0x10];
	(tm) =	ssettm $0x1  }
0x99: {  	s17 =	sld [smem:$0x3FFB];
	_ =	sdelay $0x3  }
0x9a: {  	_ =	strace s17  }
0x9b: {  	s6 =	sld [smem:$0x3FFC];
	_ =	sdelay $0x3  }
0x9c: {  	_ =	strace s6  }
0x9d: {  	s6 =	sld [smem:$0x3FFD];
	_ =	sdelay $0x3  }
0x9e: {  	_ =	strace s6  }
0x9f: {  	_ =	strace $0x8FFFFFFF  }
0xa0: {  	s18 =	sld [smem:$0x3FDB];
	_ =	sdelay $0x1  }
0xa1: {  	s19 =	simm.s32 $_scs_section_size  }
0xa2: {  	s8 =	simm.s32 $_size__tile_overlayer_lowered;
	s9 =	simm.s32 $_tile_overlayer_lowered  }
0xa3: {  	s22 =	simm.s32 $0x1BFF;
	s21 =	sshll.u32 s9, $0x1;
	s6 =	sadd.s32 s19, s18  }
0xa4: {  	s10 =	simm.s32 $0x0;
	s20 =	sshll.u32 s8, $0x1;
	s8 =	sadd.s32 s21, s6  }
0xa5: {  	[timem:s10], [sflag:s22] =	dma.local [hbm:s8], s20  }
0xa6: {  	_ =	swait.ge [sflag:s22], s20  }
0xa7: {  	s7 =	ssub.s32 $0x0, s20;
	[sflag:s22] =	ssyncset.done $0x0  }
0xa8: {  	[sflag:s22] =	ssyncadd.s32 s7;
	_ =	sdelay $0x1  }
0xa9: {  	s23 =	simm.s32 $0x1B8B  }
0xaa: {  	_ =	swait.ge [sflag:s23], $0x1  }
0xab: {  	[sflag:s23] =	ssyncset.done $0x0  }
0xac: {  	s25 =	simm.s32 $0x1B8E;
	s24 =	sld [smem:$0x3FFE];
	[sflag:s23] =	ssyncadd.s32 $0xFFFFFFFF  }
0xad: {  	s26 =	simm.s32 $execute0_lowered;
	[smem:$0x3FD2] =	sst s25  }
0xae: {  	s8 =	sshll.u32 s26, $0x1;
	_ =	strace $0x80000046;
	[dreg:$0x1] =	wrdreg $0xFFFFFFFF  }
0xaf: {  	s28 =	simm.s32 $_size_execute0_lowered;
	s6 =	sadd.s32 s6, s8;
	[dreg:$0x0] =	wrdreg $0x0  }
0xb0: {  	s8 =	sshll.u32 s28, $0x1;
	[dreg:$0x2] =	wrdreg s6  }
0xb1: {  	[dreg:$0x3] =	wrdreg s8  }
0xb2: {  	[dreg:$0x4] =	wrdreg $0xC0  }
0xb3: {  	_ =	task [dreg:s10], $0x5FFFF  }
0xb4: {  	[dreg:$0x1] =	wrdreg $0xFFFFFFFF  }
0xb5: {  	[dreg:$0x0] =	wrdreg $0x60  }
0xb6: {  	[dreg:$0x2] =	wrdreg s15  }
0xb7: {  	[dreg:$0x3] =	wrdreg s4  }
0xb8: {  	[dreg:$0x4] =	wrdreg s24  }
0xb9: {  	[dreg:$0x5] =	wrdreg s5  }
0xba: {  	[dreg:$0x6] =	wrdreg s16  }
0xbb: {  	[dreg:$0x7] =	wrdreg $0x9  }
0xbc: {  	_ =	task.clear_ibuf [dreg:s10], $0x8FFFF;
	_ =	strace $0x90000046  }
0xbd: {  	s29 =	simm.s32 $0x9;
	_ =	strace $0x80000048  }
0xbe: {  	_ =	swait.ge [sflag:s29], $0x1  }
0xbf: {  	[sflag:s29] =	ssyncadd.s32 $0xFFFFFFFF  }
0xc0: {  	_ =	strace $0x90000048  }
0xc1: {  	_ =	sfence  }
0xc2: {  	s30 =	sld [smem:$0x0];
	_ =	sdelay $0x2  }
0xc3: {  	s31 =	sshll.u32 s1, $0xD;
	s1 =	sshrl.u32 s1, $0x2  }
0xc4: {  	s3 =	sand.u32 $0x4000, s31;
	s1 =	sadd.s32 s1, s30  }
0xc5: {  	s0 =	sor.u32 s3, s0;
	s1 =	sshll.u32 s1, $0x11  }
0xc6: {  	s0 =	sor.u32 s1, s0  }
0xc7: {  	s0 =	sadd.s32 $0x8F2B, s0  }
0xc8: {  	[sflag:s0] =	ssyncadd.remote.s32 $0x1  }
0xc9: {  	_ =	sfence.sel $0xFFFF  }
0xca: {  	[dreg:$0x0] =	wrdreg $0xFFFFFFFF;
	(pc) =	sbr.abs _section_cstart, $3  }
0xcb: {  	[dreg:$0x1] =	wrdreg $0xFFFFFFFF  }
0xcc: {  	_ =	task.clear_ibuf [dreg:s10], $0x2FFFF;
	_ =	strace $0x9FFFFFFF  }
0xcd: {  	(tm) =	ssettm $0x7FFFFFFF  }
tec
execute0_lowered:
.L_overlay_start_1:
0x0: {  	(tag) =	ssettag $0x1  }
0x1: {  	s0 =	rddreg [dreg:$0x1]  }
0x2: {  	s1 =	rddreg [dreg:$0x2]  }
0x3: {  	s2 =	rddreg [dreg:$0x3]  }
0x4: {  	s4 =	rddreg [dreg:$0x4]  }
0x5: {  	s3 =	simm.s32 $0x0;
	s5 =	srdreg.scid;
	s7 =	stileid.u32  }
0x6: {  	s29 =	simm.s32 $0x2;
	s30 =	simm.s32 $0x3;
	s31 =	simm.s32 $0x4  }
0x7: {  	[smem:$0x7FF] =	sst s3;
	s5 =	sand.u32 $0x1, s5;
	s6 =	sshll.u32 s7, $0x1  }
0x8: {  	s10 =	sshrl.u32 s7, $0x1;
	s12 =	sadd.s32 $0x1800, s1;
	s8 =	sadd.s32 $0x1400, s1  }
0x9: {  	s14 =	sadd.s32 $0x1A00, s1;
	_ =	strace $0x80000047;
	s6 =	sor.u32 s5, s6  }
0xa: {  	s11 =	smul.u32 $0xC3800, s10;
	[dreg:$0x6] =	wrdreg s8;
	s5 =	ssub.s32 $0x2, s5  }
0xb: {  	s23 =	sshll.u32 s10, $0xD;
	s15 =	sshll.u32 s6, $0x8;
	s16 =	sshll.u32 s6, $0x4  }
0xc: {  	s18 =	sshrl.u32 s5, $0x1;
	s9 =	sshll.u32 s6, $0x3;
	s13 =	sand.u32 $0x300, s15  }
0xd: {  	s1 =	sadd.s32 s16, s1;
	s16 =	ssub.s32 s5, s18;
	s15 =	sshllo.u32 s6, $0x1  }
0xe: {  	s17 =	sor.u32 s11, s13;
	s21 =	sshll.u32 s15, $0x7;
	s24 =	sor.u32 s23, s13  }
0xf: {  	s25 =	sshll.u32 s15, $0x2;
	s15 =	sadd.s32 $0x3A00, s1;
	s16 =	smax.u32 s16, $0x1  }
0x10: {  	s8 =	sshrl.u32 s17, $0x3;
	s17 =	sshll.u32 s6, $0x2;
	s18 =	sand.u32 $0x380, s21  }
0x11: {  	s6 =	sshll.u32 s6, $0x9;
	s21 =	simm.s32 $0x18680;
	s5 =	sadd.s32 s0, s8  }
0x12: {  	s8 =	sadd.s32 s12, s9;
	s9 =	sadd.s32 s2, s17;
	s22 =	sor.u32 s11, s18  }
0x13: {  	s10 =	sadd.s32 s4, s6;
	s26 =	sor.u32 s23, s18;
	s12 =	sadd.s32 s12, s25  }
0x14: {  	s17 =	simm.s32 $0x80;
	s18 =	simm.s32 $0x400;
	s23 =	simm.s32 $0x6  }
0x15: {  	s25 =	simm.s32 $0x19F80;
	s19 =	sadd.s32 $0x8200, s5;
	s20 =	sadd.s32 $0x10400, s5  }
0x16: {  	s2 =	sshrl.u32 s22, $0x3;
	s28 =	sshrl.u32 s26, $0x3;
	[dreg:$0x7] =	wrdreg s19  }
0x17: {  	s22 =	simm.s32 $0x18700;
	s26 =	simm.s32 $0x1;
	[dreg:$0x8] =	wrdreg s20  }
0x18: {  	s11 =	sadd.s32 s0, s2;
	s0 =	sshrl.u32 s24, $0x3;
	s19 =	simm.s32 $0x8200  }
0x19: {  	s20 =	simm.s32 $0x10400;
	s2 =	simm.s32 $0x19B80;
	s24 =	simm.s32 $0x0  }
0x1a: {  	s13 =	sadd.s32 s14, s0;
	s14 =	sadd.s32 s14, s28;
	s0 =	simm.s32 $0x5  }
.LBB2_1:
0x1b: {  	[tilespmem:s3], [sflag:$0x2] =	stream.strided.gather [hbm4b:s5+s17], $0x8200, s18, s17, $0x38;
	[tilespmem:$0x1B000] =	vst v63  }
0x1c: {  	s1 =	rddreg [dreg:$0x7]  }
0x1d: {  	[tilespmem:s19], [sflag:$0x3] =	stream.strided.gather [hbm4b:s1+s17], $0x8200, s18, s17, $0x38;
	[tilespmem:$0x1B000] =	vst v63  }
0x1e: {  	s4 =	rddreg [dreg:$0x8]  }
0x1f: {  	[tilespmem:s20], [sflag:$0x4] =	stream.strided.gather [hbm4b:s4+s17], $0x8280, s18, s17, $0x38;
	[tilespmem:$0x1B000] =	vst v63  }
0x20: {  	_ = 	snop  }
0x21: {  	[tilespmem:s21], [sflag:$0x5] =	stream.linear.gather [hbm4b:s8+s3], $0x20, $0x38;
	[tilespmem:$0x1B000] =	vst v63  }
0x22: {  	_ = 	snop  }
0x23: {  	[tilespmem:s22], [sflag:$0x6] =	stream.linear.gather [hbm4b:s9+s3], $0x20, $0x38;
	[tilespmem:$0x1B000] =	vst v63  }
0x24: {  	_ =	swait.ge [sflag:s23], $0x20  }
0x25: {  	[sflag:s23] =	ssyncset.done $0x0  }
0x26: {  	[sflag:s23] =	ssyncadd.s32 $0xFFFFFFE0  }
0x27: {  	s4 =	simm.s32 $0x20;
	s6 =	rddreg [dreg:$0x0]  }
0x28: {  	[tilespmem:s25], [sflag:$0x1] =	stream.indirect.gather [hbm4b:s6+s4], $0x80, s22, s4, $0xb8;
	[tilespmem:$0x1B000] =	vst v63  }
0x29: {  	_ =	swait.ge [sflag:s26], $0x1000  }
0x2a: {  	[sflag:s26] =	ssyncset.done $0x0  }
0x2b: {  	[sflag:s26] =	ssyncadd.s32 $0xFFFFF000  }
0x2c: {  	[hbm4b:s10+s3] =	stream.linear.scatter [tilespmem:s25], [sflag:$0x6], $0x1000, $0x38;
	[tilespmem:$0x1B000] =	vst v63  }
0x2d: {  	_ =	swait.ge [sflag:s23], $0x1000  }
0x2e: {  	[sflag:s23] =	ssyncset.done $0x0  }
0x2f: {  	s28 =	simm.s32 $0x18780;
	s7 =	rddreg [dreg:$0x6];
	[sflag:s23] =	ssyncadd.s32 $0xFFFFF000  }
0x30: {  	[tilespmem:s28], [sflag:$0x6] =	stream.linear.gather [hbm4b:s7+s3], $0x1400, $0x38;
	[tilespmem:$0x1B000] =	vst v63  }
0x31: {  	_ =	swait.ge [sflag:s23], $0x1400  }
0x32: {  	[sflag:s23] =	ssyncset.done $0x0  }
0x33: {  	[sflag:s23] =	ssyncadd.s32 $0xFFFFEC00  }
0x34: {  	_ =	swait.ge [sflag:s29], $0x8200  }
0x35: {  	[sflag:s29] =	ssyncset.done $0x0  }
0x36: {  	s6 =	simm.s32 $0x0;
	[sflag:s29] =	ssyncadd.s32 $0xFFFF7E00  }
0x37: {  	v0 =	vld [tilespmem:s6+$0x70]  }
0x38: {  	v2 =	vld [tilespmem:s6+$0x0]  }
0x39: {  	v4 =	vld [tilespmem:s6+$0x10]  }
0x3a: {  	v5 =	vld [tilespmem:s6+$0x20]  }
0x3b: {  	v8 =	vld [tilespmem:s6+$0x30]  }
0x3c: {  	v3 =	vimm.f32 $0.0e+00;
	v9 =	vimm.f32 $0.0e+00;
	v6 =	vld [tilespmem:s6+$0x40]  }
0x3d: {  	v10 =	vimm.f32 $0.0e+00;
	v7 =	vimm.f32 $0.0e+00;
	v11 =	vld [tilespmem:s6+$0x50];
	v1 =	vadd.f32 v0, v3  }
0x3e: {  	s1 =	simm.s32 $0x80;
	s4 =	simm.s32 $0x400;
	v12 =	vld [tilespmem:s6+$0x60];
	v0 =	vadd.f32 v2, v3;
	v2 =	vadd.f32 v4, v3;
	v4 =	vimm.f32 $0.0e+00  }
.LBB2_2:
0x3f: {  	p0 =	sne.s32 s4, $0x20600;
	v13 =	vld [tilespmem:s1+$0x70];
	v3 =	vadd.f32 v5, v3  }
0x40: {  	v14 =	vld [tilespmem:s1+$0x0];
	v4 =	vadd.f32 v8, v4  }
0x41: {  	v15 =	vld [tilespmem:s1+$0x10];
	v9 =	vadd.f32 v6, v9  }
.Ltmp0:
0x42: {  	v5 =	vld [tilespmem:s1+$0x20];
	v10 =	vadd.f32 v11, v10;
	(pc) =	sbr.rel @p0 .LBB2_2-.Ltmp0, $4  }
0x43: {  	v8 =	vld [tilespmem:s1+$0x30];
	v7 =	vadd.f32 v12, v7  }
0x44: {  	v6 =	vld [tilespmem:s1+$0x40];
	v1 =	vadd.f32 v13, v1  }
0x45: {  	v0 =	vadd.f32 v14, v0;
	v11 =	vld [tilespmem:s1+$0x50]  }
0x46: {  	v2 =	vadd.f32 v15, v2;
	v12 =	vld [tilespmem:s1+$0x60];
	s1 =	sshra.s32 s4, $0x2;
	s4 =	sadd.s32 $0x200, s4  }
0x47: {  	v13 =	vld [tilespmem:s1+$0x70]  }
0x48: {  	v14 =	vld [tilespmem:s1+$0x0]  }
0x49: {  	v15 =	vld [tilespmem:s1+$0x10]  }
0x4a: {  	v16 =	vld [tilespmem:s1+$0x20]  }
0x4b: {  	v17 =	vld [tilespmem:s1+$0x30]  }
0x4c: {  	v18 =	vld [tilespmem:s1+$0x40]  }
0x4d: {  	v19 =	vld [tilespmem:s1+$0x50]  }
0x4e: {  	v20 =	vld [tilespmem:s1+$0x60];
	_ =	swait.ge [sflag:s30], $0x8200  }
0x4f: {  	[sflag:s30] =	ssyncset.done $0x0  }
0x50: {  	s6 =	simm.s32 $0x0;
	[sflag:s30] =	ssyncadd.s32 $0xFFFF7E00  }
0x51: {  	v3 =	vadd.f32 v5, v3;
	v4 =	vadd.f32 v8, v4;
	v5 =	vld [tilespmem:s6+$0x8270]  }
0x52: {  	v6 =	vadd.f32 v6, v9;
	v10 =	vadd.f32 v11, v10;
	v21 =	vld [tilespmem:s6+$0x8200]  }
0x53: {  	v7 =	vadd.f32 v12, v7;
	v12 =	vld [tilespmem:s6+$0x8210];
	v11 =	vadd.f32 v13, v1  }
0x54: {  	v8 =	vld [tilespmem:s6+$0x8220];
	v13 =	vadd.f32 v14, v0;
	v14 =	vadd.f32 v15, v2  }
0x55: {  	v9 =	vld [tilespmem:s6+$0x8230];
	v0 =	vadd.f32 v16, v3;
	v1 =	vadd.f32 v17, v4  }
0x56: {  	v2 =	vadd.f32 v18, v6;
	v3 =	vadd.f32 v19, v10;
	v10 =	vld [tilespmem:s6+$0x8240]  }
0x57: {  	v4 =	vadd.f32 v20, v7;
	v5 =	vadd.f32 v5, v11;
	v11 =	vld [tilespmem:s6+$0x8250]  }
0x58: {  	s1 =	simm.s32 $0x80;
	s4 =	simm.s32 $0x400;
	v6 =	vadd.f32 v21, v13;
	v7 =	vadd.f32 v12, v14;
	v12 =	vld [tilespmem:s6+$0x8260]  }
.LBB2_4:
0x59: {  	p0 =	sne.s32 s4, $0x20600;
	v13 =	vld [tilespmem:s1+$0x8270];
	v0 =	vadd.f32 v8, v0  }
0x5a: {  	v14 =	vld [tilespmem:s1+$0x8200];
	v1 =	vadd.f32 v9, v1  }
0x5b: {  	v15 =	vld [tilespmem:s1+$0x8210];
	v2 =	vadd.f32 v10, v2  }
.Ltmp1:
0x5c: {  	v8 =	vld [tilespmem:s1+$0x8220];
	v3 =	vadd.f32 v11, v3;
	(pc) =	sbr.rel @p0 .LBB2_4-.Ltmp1, $4  }
0x5d: {  	v9 =	vld [tilespmem:s1+$0x8230];
	v4 =	vadd.f32 v12, v4  }
0x5e: {  	v10 =	vld [tilespmem:s1+$0x8240];
	v5 =	vadd.f32 v13, v5  }
0x5f: {  	v6 =	vadd.f32 v14, v6;
	v11 =	vld [tilespmem:s1+$0x8250]  }
0x60: {  	v7 =	vadd.f32 v15, v7;
	v12 =	vld [tilespmem:s1+$0x8260];
	s1 =	sshra.s32 s4, $0x2;
	s4 =	sadd.s32 $0x200, s4  }
0x61: {  	v13 =	vld [tilespmem:s1+$0x8270]  }
0x62: {  	v14 =	vld [tilespmem:s1+$0x8200]  }
0x63: {  	v15 =	vld [tilespmem:s1+$0x8210]  }
0x64: {  	v16 =	vld [tilespmem:s1+$0x8220]  }
0x65: {  	v17 =	vld [tilespmem:s1+$0x8230]  }
0x66: {  	v18 =	vld [tilespmem:s1+$0x8240]  }
0x67: {  	v19 =	vld [tilespmem:s1+$0x8250]  }
0x68: {  	v20 =	vld [tilespmem:s1+$0x8260];
	_ =	swait.ge [sflag:s31], $0x8280  }
0x69: {  	[sflag:s31] =	ssyncset.done $0x0  }
0x6a: {  	s6 =	simm.s32 $0x0;
	[sflag:s31] =	ssyncadd.s32 $0xFFFF7D80  }
0x6b: {  	v0 =	vadd.f32 v8, v0;
	v1 =	vadd.f32 v9, v1;
	v8 =	vld [tilespmem:s6+$0x10470]  }
0x6c: {  	v2 =	vadd.f32 v10, v2;
	v10 =	vadd.f32 v11, v3;
	v21 =	vld [tilespmem:s6+$0x10400]  }
0x6d: {  	v4 =	vadd.f32 v12, v4;
	v12 =	vld [tilespmem:s6+$0x10410];
	v5 =	vadd.f32 v13, v5  }
0x6e: {  	v6 =	vadd.f32 v14, v6;
	v13 =	vadd.f32 v15, v7;
	v7 =	vld [tilespmem:s6+$0x10420]  }
0x6f: {  	v9 =	vld [tilespmem:s6+$0x10430];
	v0 =	vadd.f32 v16, v0;
	v1 =	vadd.f32 v17, v1  }
0x70: {  	v3 =	vadd.f32 v18, v2;
	v2 =	vadd.f32 v19, v10;
	v10 =	vld [tilespmem:s6+$0x10440]  }
0x71: {  	v11 =	vld [tilespmem:s6+$0x10450];
	v4 =	vadd.f32 v20, v4;
	v5 =	vadd.f32 v8, v5  }
0x72: {  	s1 =	simm.s32 $0x80;
	s4 =	simm.s32 $0x400;
	v6 =	vadd.f32 v21, v6;
	v8 =	vadd.f32 v12, v13;
	v12 =	vld [tilespmem:s6+$0x10460]  }
.LBB2_6:
0x73: {  	p0 =	sne.s32 s4, $0x20800;
	v13 =	vld [tilespmem:s1+$0x10470];
	v0 =	vadd.f32 v7, v0  }
0x74: {  	v14 =	vld [tilespmem:s1+$0x10400];
	v1 =	vadd.f32 v9, v1  }
0x75: {  	v15 =	vld [tilespmem:s1+$0x10410];
	v3 =	vadd.f32 v10, v3  }
.Ltmp2:
0x76: {  	v7 =	vld [tilespmem:s1+$0x10420];
	v2 =	vadd.f32 v11, v2;
	(pc) =	sbr.rel @p0 .LBB2_6-.Ltmp2, $4  }
0x77: {  	v9 =	vld [tilespmem:s1+$0x10430];
	v4 =	vadd.f32 v12, v4  }
0x78: {  	v10 =	vld [tilespmem:s1+$0x10440];
	v5 =	vadd.f32 v13, v5  }
0x79: {  	v6 =	vadd.f32 v14, v6;
	v11 =	vld [tilespmem:s1+$0x10450]  }
0x7a: {  	v8 =	vadd.f32 v15, v8;
	v12 =	vld [tilespmem:s1+$0x10460];
	s1 =	sshra.s32 s4, $0x2;
	s4 =	sadd.s32 $0x200, s4  }
0x7b: {  	v13 =	vld [tilespmem:s1+$0x10470]  }
0x7c: {  	v14 =	vld [tilespmem:s1+$0x10400]  }
0x7d: {  	v15 =	vld [tilespmem:s1+$0x10410]  }
0x7e: {  	v16 =	vld [tilespmem:s1+$0x10420]  }
0x7f: {  	v17 =	vld [tilespmem:s1+$0x10430]  }
0x80: {  	v18 =	vld [tilespmem:s1+$0x10440]  }
0x81: {  	v19 =	vld [tilespmem:s1+$0x10450]  }
0x82: {  	v20 =	vld [tilespmem:s1+$0x10460];
	_ =	swait.ge [sflag:s0], $0x20  }
0x83: {  	[sflag:s0] =	ssyncset.done $0x0  }
0x84: {  	s6 =	simm.s32 $0x18780;
	[sflag:s0] =	ssyncadd.s32 $0xFFFFFFE0  }
0x85: {  	s4 =	simm.s32 $0x0;
	v21 =	vld [tilespmem:s6+$0x0]  }
0x86: {  	s7 =	sand.u32 $0x3F0, s4  }
0x87: {  	v22 =	vld [tilespmem:s7+$0x18B80];
	_ =	sdelay $0x1  }
0x88: {  	v23 =	vld [tilespmem:s7+$0x18F80];
	_ =	sdelay $0x1  }
0x89: {  	v24 =	vld [tilespmem:s7+$0x19380]  }
0x8a: {  	v25 =	vld [tilespmem:s7+$0x19780]  }
0x8b: {  	v21 =	vld.idx.msk [tilespmem:v21+s3+$0x0], $0xffff;
	_ =	sdelay $0x1  }
0x8c: {  	v22 =	vld.idx.msk [tilespmem:v22+s3+$0x0], $0xffff;
	_ =	sdelay $0x1  }
0x8d: {  	v23 =	vld.idx.msk [tilespmem:v23+s3+$0x0], $0xffff  }
0x8e: {  	v21 =	vadd.f32 $0.0e+00, v21  }
0x8f: {  	v24 =	vld.idx.msk [tilespmem:v24+s3+$0x0], $0xffff  }
0x90: {  	v21 =	vadd.f32 v22, v21  }
0x91: {  	v63 =	vld.idx.msk [tilespmem:v25+s3+$0x0], $0xffff  }
0x92: {  	v21 =	vadd.f32 v23, v21;
	_ =	sdelay $0x1  }
0x93: {  	v21 =	vadd.f32 v24, v21  }
0x94: {  	v0 =	vadd.f32 v7, v0;
	v1 =	vadd.f32 v9, v1  }
0x95: {  	v3 =	vadd.f32 v10, v3;
	v9 =	vadd.f32 v63, v21  }
0x96: {  	v10 =	vadd.f32 v11, v2;
	v11 =	vadd.f32 v12, v4  }
0x97: {  	v5 =	vadd.f32 v13, v5;
	v6 =	vadd.f32 v14, v6;
	v4 =	vmul.f32 $2.000000030e-01, v9  }
0x98: {  	s28 =	simm.s32 $0x19B80;
	v7 =	vld [tilespmem:$0x18680];
	v8 =	vadd.f32 v15, v8;
	v0 =	vadd.f32 v16, v0  }
0x99: {  	s1 =	simm.s32 $0x18790;
	v2 =	vadd.f32 v17, v1;
	v1 =	vadd.f32 v18, v3;
	v9 =	vld [tilespmem:$0x18690];
	[tilespmem:s28+$0x0] =	vst v4  }
0x9a: {  	s4 =	simm.s32 $0x10;
	s6 =	simm.s32 $0x20;
	v3 =	vadd.f32 v20, v11;
	v4 =	vadd.f32 v19, v10;
	v10 =	vld [tilespmem:s1+$0x0]  }
.LBB2_8:
0x9b: {  	p0 =	sne.s32 s6, $0x3F0;
	s7 =	sand.u32 $0x3F0, s4;
	s4 =	smov.u32 s6  }
0x9c: {  	v11 =	vld [tilespmem:s7+$0x18B80];
	_ =	sdelay $0x1  }
0x9d: {  	v12 =	vld [tilespmem:s7+$0x18F80];
	_ =	sdelay $0x1  }
0x9e: {  	v13 =	vld [tilespmem:s7+$0x19380]  }
0x9f: {  	v14 =	vld [tilespmem:s7+$0x19780]  }
0xa0: {  	v10 =	vld.idx.msk [tilespmem:v10+s3+$0x0], $0xffff;
	_ =	sdelay $0x1  }
0xa1: {  	v11 =	vld.idx.msk [tilespmem:v11+s3+$0x0], $0xffff;
	_ =	sdelay $0x1  }
0xa2: {  	v12 =	vld.idx.msk [tilespmem:v12+s3+$0x0], $0xffff;
	_ =	sdelay $0x1  }
0xa3: {  	v10 =	vadd.f32 $0.0e+00, v10;
	v13 =	vld.idx.msk [tilespmem:v13+s3+$0x0], $0xffff;
	_ =	sdelay $0x1  }
0xa4: {  	v10 =	vadd.f32 v11, v10;
	v11 =	vld.idx.msk [tilespmem:v14+s3+$0x0], $0xffff;
	_ =	sdelay $0x1  }
0xa5: {  	v10 =	vadd.f32 v12, v10;
	_ =	sdelay $0x1  }
0xa6: {  	v10 =	vadd.f32 v13, v10;
	_ =	sdelay $0x1  }
0xa7: {  	v10 =	vadd.f32 v11, v10  }
.Ltmp3:
0xa8: {  	(pc) =	sbr.rel @p0 .LBB2_8-.Ltmp3, $4  }
0xa9: {  	v10 =	vmul.f32 $2.000000030e-01, v10  }
0xaa: {  	s28 =	sadd.s32 $0x10, s28  }
0xab: {  	s1 =	sadd.s32 $0x10, s1;
	[tilespmem:s28+$0x0] =	vst v10  }
0xac: {  	s6 =	sadd.s32 $0x10, s6;
	v10 =	vld [tilespmem:s1+$0x0]  }
0xad: {  	_ = 	snop  }
0xae: {  	s1 =	sand.u32 $0x3F0, s4  }
0xaf: {  	v11 =	vld [tilespmem:s1+$0x18B80];
	_ =	sdelay $0x1  }
0xb0: {  	v12 =	vld [tilespmem:s1+$0x18F80];
	_ =	sdelay $0x1  }
0xb1: {  	v13 =	vld [tilespmem:s1+$0x19380]  }
0xb2: {  	v14 =	vld [tilespmem:s1+$0x19780]  }
0xb3: {  	v10 =	vld.idx.msk [tilespmem:v10+s3+$0x0], $0xffff;
	_ =	sdelay $0x1  }
0xb4: {  	v11 =	vld.idx.msk [tilespmem:v11+s3+$0x0], $0xffff;
	_ =	sdelay $0x1  }
0xb5: {  	v12 =	vld.idx.msk [tilespmem:v12+s3+$0x0], $0xffff  }
0xb6: {  	v10 =	vadd.f32 $0.0e+00, v10  }
0xb7: {  	v13 =	vld.idx.msk [tilespmem:v13+s3+$0x0], $0xffff  }
0xb8: {  	v10 =	vadd.f32 v11, v10  }
0xb9: {  	v11 =	vld.idx.msk [tilespmem:v14+s3+$0x0], $0xffff  }
0xba: {  	v10 =	vadd.f32 v12, v10;
	_ =	sdelay $0x1  }
0xbb: {  	v10 =	vadd.f32 v13, v10;
	_ =	sdelay $0x1  }
0xbc: {  	v10 =	vadd.f32 v11, v10;
	_ =	sdelay $0x1  }
0xbd: {  	v10 =	vmul.f32 $2.000000030e-01, v10  }
0xbe: {  	s4 =	sadd.s32 $0x10, s28  }
0xbf: {  	s6 =	simm.s32 $0x0;
	[tilespmem:s4+$0x0] =	vst v10  }
0xc0: {  	[tilespmem:s6], [sflag:$0x2] =	stream.strided.gather [hbm4b:s11+s17], $0x8200, s18, s17, $0x38;
	[tilespmem:$0x1B000] =	vst v63  }
0xc1: {  	s7 =	sadd.s32 $0x8200, s11  }
0xc2: {  	[tilespmem:s19], [sflag:$0x3] =	stream.strided.gather [hbm4b:s7+s17], $0x8200, s18, s17, $0x38;
	[tilespmem:$0x1B000] =	vst v63  }
0xc3: {  	s28 =	sadd.s32 $0x10400, s11  }
0xc4: {  	[tilespmem:s20], [sflag:$0x4] =	stream.strided.gather [hbm4b:s28+s17], $0x8280, s18, s17, $0x38;
	[tilespmem:$0x1B000] =	vst v63  }
0xc5: {  	_ = 	snop  }
0xc6: {  	[tilespmem:s21], [sflag:$0x5] =	stream.linear.gather [hbm4b:s12+s6], $0x20, $0x38;
	[tilespmem:$0x1B000] =	vst v63  }
0xc7: {  	_ = 	snop  }
0xc8: {  	[hbm4b:s13+s17] =	stream.strided.scatter [tilespmem:s2], [sflag:$0x6], $0x400, s18, s17, $0x38;
	[tilespmem:$0x1B000] =	vst v63  }
0xc9: {  	_ =	swait.ge [sflag:s23], $0x400  }
0xca: {  	[sflag:s23] =	ssyncset.done $0x0  }
0xcb: {  	[sflag:s23] =	ssyncadd.s32 $0xFFFFFC00  }
0xcc: {  	_ =	swait.ge [sflag:s29], $0x8200  }
0xcd: {  	[sflag:s29] =	ssyncset.done $0x0  }
0xce: {  	s6 =	simm.s32 $0x0;
	[sflag:s29] =	ssyncadd.s32 $0xFFFF7E00  }
0xcf: {  	v12 =	vld [tilespmem:s6+$0x70]  }
0xd0: {  	v13 =	vld [tilespmem:s6+$0x0]  }
0xd1: {  	v14 =	vld [tilespmem:s6+$0x10]  }
0xd2: {  	v10 =	vld [tilespmem:s6+$0x20]  }
0xd3: {  	v11 =	vld [tilespmem:s6+$0x30]  }
0xd4: {  	v6 =	vadd.f32 v7, v6;
	v7 =	vadd.f32 v9, v8;
	v8 =	vld [tilespmem:s6+$0x40]  }
0xd5: {  	v9 =	vld [tilespmem:s6+$0x50];
	v5 =	vadd.f32 v12, v5  }
0xd6: {  	s1 =	simm.s32 $0x80;
	s4 =	simm.s32 $0x400;
	v6 =	vadd.f32 v13, v6;
	v7 =	vadd.f32 v14, v7;
	v12 =	vld [tilespmem:s6+$0x60]  }
.LBB2_10:
0xd7: {  	p0 =	sne.s32 s4, $0x20600;
	v13 =	vld [tilespmem:s1+$0x70];
	v0 =	vadd.f32 v10, v0  }
0xd8: {  	v14 =	vld [tilespmem:s1+$0x0];
	v2 =	vadd.f32 v11, v2  }
0xd9: {  	v15 =	vld [tilespmem:s1+$0x10];
	v1 =	vadd.f32 v8, v1  }
.Ltmp4:
0xda: {  	v10 =	vld [tilespmem:s1+$0x20];
	v4 =	vadd.f32 v9, v4;
	(pc) =	sbr.rel @p0 .LBB2_10-.Ltmp4, $4  }
0xdb: {  	v11 =	vld [tilespmem:s1+$0x30];
	v3 =	vadd.f32 v12, v3  }
0xdc: {  	v8 =	vld [tilespmem:s1+$0x40];
	v5 =	vadd.f32 v13, v5  }
0xdd: {  	v6 =	vadd.f32 v14, v6;
	v9 =	vld [tilespmem:s1+$0x50]  }
0xde: {  	v7 =	vadd.f32 v15, v7;
	v12 =	vld [tilespmem:s1+$0x60];
	s1 =	sshra.s32 s4, $0x2;
	s4 =	sadd.s32 $0x200, s4  }
0xdf: {  	v13 =	vld [tilespmem:s1+$0x70]  }
0xe0: {  	v14 =	vld [tilespmem:s1+$0x0]  }
0xe1: {  	v15 =	vld [tilespmem:s1+$0x10]  }
0xe2: {  	v16 =	vld [tilespmem:s1+$0x20]  }
0xe3: {  	v17 =	vld [tilespmem:s1+$0x30]  }
0xe4: {  	v18 =	vld [tilespmem:s1+$0x40]  }
0xe5: {  	v19 =	vld [tilespmem:s1+$0x50]  }
0xe6: {  	v20 =	vld [tilespmem:s1+$0x60];
	_ =	swait.ge [sflag:s30], $0x8200  }
0xe7: {  	[sflag:s30] =	ssyncset.done $0x0  }
0xe8: {  	s6 =	simm.s32 $0x0;
	[sflag:s30] =	ssyncadd.s32 $0xFFFF7E00  }
0xe9: {  	v0 =	vadd.f32 v10, v0;
	v2 =	vadd.f32 v11, v2;
	v11 =	vld [tilespmem:s6+$0x8270]  }
0xea: {  	v10 =	vadd.f32 v8, v1;
	v4 =	vadd.f32 v9, v4;
	v21 =	vld [tilespmem:s6+$0x8200]  }
0xeb: {  	v12 =	vadd.f32 v12, v3;
	v5 =	vadd.f32 v13, v5;
	v13 =	vld [tilespmem:s6+$0x8210]  }
0xec: {  	v8 =	vld [tilespmem:s6+$0x8220];
	v6 =	vadd.f32 v14, v6;
	v7 =	vadd.f32 v15, v7  }
0xed: {  	v9 =	vld [tilespmem:s6+$0x8230];
	v0 =	vadd.f32 v16, v0;
	v1 =	vadd.f32 v17, v2  }
0xee: {  	v2 =	vadd.f32 v18, v10;
	v3 =	vadd.f32 v19, v4;
	v10 =	vld [tilespmem:s6+$0x8240]  }
0xef: {  	v4 =	vadd.f32 v20, v12;
	v5 =	vadd.f32 v11, v5;
	v11 =	vld [tilespmem:s6+$0x8250]  }
0xf0: {  	s1 =	simm.s32 $0x80;
	s4 =	simm.s32 $0x400;
	v12 =	vld [tilespmem:s6+$0x8260];
	v6 =	vadd.f32 v21, v6;
	v7 =	vadd.f32 v13, v7  }
.LBB2_12:
0xf1: {  	p0 =	sne.s32 s4, $0x20600;
	v13 =	vld [tilespmem:s1+$0x8270];
	v0 =	vadd.f32 v8, v0  }
0xf2: {  	v14 =	vld [tilespmem:s1+$0x8200];
	v1 =	vadd.f32 v9, v1  }
0xf3: {  	v15 =	vld [tilespmem:s1+$0x8210];
	v2 =	vadd.f32 v10, v2  }
.Ltmp5:
0xf4: {  	v8 =	vld [tilespmem:s1+$0x8220];
	v3 =	vadd.f32 v11, v3;
	(pc) =	sbr.rel @p0 .LBB2_12-.Ltmp5, $4  }
0xf5: {  	v9 =	vld [tilespmem:s1+$0x8230];
	v4 =	vadd.f32 v12, v4  }
0xf6: {  	v10 =	vld [tilespmem:s1+$0x8240];
	v5 =	vadd.f32 v13, v5  }
0xf7: {  	v6 =	vadd.f32 v14, v6;
	v11 =	vld [tilespmem:s1+$0x8250]  }
0xf8: {  	v7 =	vadd.f32 v15, v7;
	v12 =	vld [tilespmem:s1+$0x8260];
	s1 =	sshra.s32 s4, $0x2;
	s4 =	sadd.s32 $0x200, s4  }
0xf9: {  	v13 =	vld [tilespmem:s1+$0x8270]  }
0xfa: {  	v14 =	vld [tilespmem:s1+$0x8200]  }
0xfb: {  	v15 =	vld [tilespmem:s1+$0x8210]  }
0xfc: {  	v16 =	vld [tilespmem:s1+$0x8220]  }
0xfd: {  	v17 =	vld [tilespmem:s1+$0x8230]  }
0xfe: {  	v18 =	vld [tilespmem:s1+$0x8240]  }
0xff: {  	v19 =	vld [tilespmem:s1+$0x8250]  }
0x100: {  	v20 =	vld [tilespmem:s1+$0x8260];
	_ =	swait.ge [sflag:s31], $0x8280  }
0x101: {  	[sflag:s31] =	ssyncset.done $0x0  }
0x102: {  	s6 =	simm.s32 $0x0;
	[sflag:s31] =	ssyncadd.s32 $0xFFFF7D80  }
0x103: {  	v0 =	vadd.f32 v8, v0;
	v1 =	vadd.f32 v9, v1;
	v8 =	vld [tilespmem:s6+$0x10470]  }
0x104: {  	v2 =	vadd.f32 v10, v2;
	v10 =	vadd.f32 v11, v3;
	v21 =	vld [tilespmem:s6+$0x10400]  }
0x105: {  	v4 =	vadd.f32 v12, v4;
	v12 =	vld [tilespmem:s6+$0x10410];
	v5 =	vadd.f32 v13, v5  }
0x106: {  	v6 =	vadd.f32 v14, v6;
	v13 =	vadd.f32 v15, v7;
	v7 =	vld [tilespmem:s6+$0x10420]  }
0x107: {  	v9 =	vld [tilespmem:s6+$0x10430];
	v0 =	vadd.f32 v16, v0;
	v1 =	vadd.f32 v17, v1  }
0x108: {  	v3 =	vadd.f32 v18, v2;
	v2 =	vadd.f32 v19, v10;
	v10 =	vld [tilespmem:s6+$0x10440]  }
0x109: {  	v11 =	vld [tilespmem:s6+$0x10450];
	v4 =	vadd.f32 v20, v4;
	v5 =	vadd.f32 v8, v5  }
0x10a: {  	s1 =	simm.s32 $0x80;
	s4 =	simm.s32 $0x400;
	v6 =	vadd.f32 v21, v6;
	v8 =	vadd.f32 v12, v13;
	v12 =	vld [tilespmem:s6+$0x10460]  }
.LBB2_14:
0x10b: {  	p0 =	sne.s32 s4, $0x20800;
	v13 =	vld [tilespmem:s1+$0x10470];
	v0 =	vadd.f32 v7, v0  }
0x10c: {  	v14 =	vld [tilespmem:s1+$0x10400];
	v1 =	vadd.f32 v9, v1  }
0x10d: {  	v15 =	vld [tilespmem:s1+$0x10410];
	v3 =	vadd.f32 v10, v3  }
.Ltmp6:
0x10e: {  	v7 =	vld [tilespmem:s1+$0x10420];
	v2 =	vadd.f32 v11, v2;
	(pc) =	sbr.rel @p0 .LBB2_14-.Ltmp6, $4  }
0x10f: {  	v9 =	vld [tilespmem:s1+$0x10430];
	v4 =	vadd.f32 v12, v4  }
0x110: {  	v10 =	vld [tilespmem:s1+$0x10440];
	v5 =	vadd.f32 v13, v5  }
0x111: {  	v6 =	vadd.f32 v14, v6;
	v11 =	vld [tilespmem:s1+$0x10450]  }
0x112: {  	v8 =	vadd.f32 v15, v8;
	v12 =	vld [tilespmem:s1+$0x10460];
	s1 =	sshra.s32 s4, $0x2;
	s4 =	sadd.s32 $0x200, s4  }
0x113: {  	v13 =	vld [tilespmem:s1+$0x10470]  }
0x114: {  	v14 =	vld [tilespmem:s1+$0x10400]  }
0x115: {  	v15 =	vld [tilespmem:s1+$0x10410]  }
0x116: {  	v16 =	vld [tilespmem:s1+$0x10420]  }
0x117: {  	v17 =	vld [tilespmem:s1+$0x10430]  }
0x118: {  	v18 =	vld [tilespmem:s1+$0x10440]  }
0x119: {  	v19 =	vld [tilespmem:s1+$0x10450]  }
0x11a: {  	v20 =	vld [tilespmem:s1+$0x10460];
	_ =	swait.ge [sflag:s0], $0x20  }
0x11b: {  	[sflag:s0] =	ssyncset.done $0x0  }
0x11c: {  	s6 =	simm.s32 $0x18780;
	[sflag:s0] =	ssyncadd.s32 $0xFFFFFFE0  }
0x11d: {  	s4 =	simm.s32 $0x0;
	v21 =	vld [tilespmem:s6+$0x0]  }
0x11e: {  	s7 =	sand.u32 $0x3F0, s4  }
0x11f: {  	v22 =	vld [tilespmem:s7+$0x18B80];
	_ =	sdelay $0x1  }
0x120: {  	v23 =	vld [tilespmem:s7+$0x18F80];
	_ =	sdelay $0x1  }
0x121: {  	v24 =	vld [tilespmem:s7+$0x19380]  }
0x122: {  	v25 =	vld [tilespmem:s7+$0x19780]  }
0x123: {  	v21 =	vld.idx.msk [tilespmem:v21+s3+$0x0], $0xffff;
	_ =	sdelay $0x1  }
0x124: {  	v22 =	vld.idx.msk [tilespmem:v22+s3+$0x0], $0xffff;
	_ =	sdelay $0x1  }
0x125: {  	v23 =	vld.idx.msk [tilespmem:v23+s3+$0x0], $0xffff  }
0x126: {  	v21 =	vadd.f32 $0.0e+00, v21  }
0x127: {  	v24 =	vld.idx.msk [tilespmem:v24+s3+$0x0], $0xffff  }
0x128: {  	v21 =	vadd.f32 v22, v21  }
0x129: {  	v62 =	vld.idx.msk [tilespmem:v25+s3+$0x0], $0xffff  }
0x12a: {  	v21 =	vadd.f32 v23, v21;
	_ =	sdelay $0x1  }
0x12b: {  	v21 =	vadd.f32 v24, v21  }
0x12c: {  	v63 =	vadd.f32 v7, v0;
	v1 =	vadd.f32 v9, v1  }
0x12d: {  	v3 =	vadd.f32 v10, v3;
	v9 =	vadd.f32 v62, v21  }
0x12e: {  	v10 =	vadd.f32 v11, v2;
	v11 =	vadd.f32 v12, v4  }
0x12f: {  	v0 =	vadd.f32 v13, v5;
	v6 =	vadd.f32 v14, v6;
	v4 =	vmul.f32 $2.000000030e-01, v9  }
0x130: {  	s28 =	simm.s32 $0x19B80;
	v7 =	vld [tilespmem:$0x18680];
	v8 =	vadd.f32 v15, v8;
	v2 =	vadd.f32 v16, v63  }
0x131: {  	s1 =	simm.s32 $0x18790;
	v5 =	vadd.f32 v17, v1;
	v3 =	vadd.f32 v18, v3;
	v9 =	vld [tilespmem:$0x18690];
	[tilespmem:s28+$0x0] =	vst v4  }
0x132: {  	s4 =	simm.s32 $0x10;
	s6 =	simm.s32 $0x20;
	v1 =	vadd.f32 v20, v11;
	v4 =	vadd.f32 v19, v10;
	v10 =	vld [tilespmem:s1+$0x0]  }
.LBB2_16:
0x133: {  	p0 =	sne.s32 s6, $0x3F0;
	s7 =	sand.u32 $0x3F0, s4;
	s4 =	smov.u32 s6  }
0x134: {  	v11 =	vld [tilespmem:s7+$0x18B80];
	_ =	sdelay $0x1  }
0x135: {  	v12 =	vld [tilespmem:s7+$0x18F80];
	_ =	sdelay $0x1  }
0x136: {  	v13 =	vld [tilespmem:s7+$0x19380]  }
0x137: {  	v14 =	vld [tilespmem:s7+$0x19780]  }
0x138: {  	v10 =	vld.idx.msk [tilespmem:v10+s3+$0x0], $0xffff;
	_ =	sdelay $0x1  }
0x139: {  	v11 =	vld.idx.msk [tilespmem:v11+s3+$0x0], $0xffff;
	_ =	sdelay $0x1  }
0x13a: {  	v12 =	vld.idx.msk [tilespmem:v12+s3+$0x0], $0xffff;
	_ =	sdelay $0x1  }
0x13b: {  	v10 =	vadd.f32 $0.0e+00, v10;
	v13 =	vld.idx.msk [tilespmem:v13+s3+$0x0], $0xffff;
	_ =	sdelay $0x1  }
0x13c: {  	v10 =	vadd.f32 v11, v10;
	v11 =	vld.idx.msk [tilespmem:v14+s3+$0x0], $0xffff;
	_ =	sdelay $0x1  }
0x13d: {  	v10 =	vadd.f32 v12, v10;
	_ =	sdelay $0x1  }
0x13e: {  	v10 =	vadd.f32 v13, v10;
	_ =	sdelay $0x1  }
0x13f: {  	v10 =	vadd.f32 v11, v10  }
.Ltmp7:
0x140: {  	(pc) =	sbr.rel @p0 .LBB2_16-.Ltmp7, $4  }
0x141: {  	v10 =	vmul.f32 $2.000000030e-01, v10  }
0x142: {  	s28 =	sadd.s32 $0x10, s28  }
0x143: {  	s1 =	sadd.s32 $0x10, s1;
	[tilespmem:s28+$0x0] =	vst v10  }
0x144: {  	s6 =	sadd.s32 $0x10, s6;
	v10 =	vld [tilespmem:s1+$0x0]  }
0x145: {  	_ = 	snop  }
0x146: {  	s1 =	sand.u32 $0x3F0, s4  }
0x147: {  	v11 =	vld [tilespmem:s1+$0x18B80];
	_ =	sdelay $0x1  }
0x148: {  	v12 =	vld [tilespmem:s1+$0x18F80];
	_ =	sdelay $0x1  }
0x149: {  	v13 =	vld [tilespmem:s1+$0x19380]  }
0x14a: {  	v14 =	vld [tilespmem:s1+$0x19780]  }
0x14b: {  	v10 =	vld.idx.msk [tilespmem:v10+s3+$0x0], $0xffff;
	_ =	sdelay $0x1  }
0x14c: {  	v11 =	vld.idx.msk [tilespmem:v11+s3+$0x0], $0xffff;
	_ =	sdelay $0x1  }
0x14d: {  	v12 =	vld.idx.msk [tilespmem:v12+s3+$0x0], $0xffff  }
0x14e: {  	v10 =	vadd.f32 $0.0e+00, v10  }
0x14f: {  	v6 =	vadd.f32 v7, v6;
	v57 =	vadd.f32 v9, v8;
	v13 =	vld.idx.msk [tilespmem:v13+s3+$0x0], $0xffff  }
0x150: {  	v58 =	vadd.f32 v11, v10  }
0x151: {  	v6 =	vadd.f32 v57, v6;
	v59 =	vld.idx.msk [tilespmem:v14+s3+$0x0], $0xffff  }
0x152: {  	v60 =	vadd.f32 v12, v58  }
0x153: {  	v2 =	vadd.f32 v6, v2  }
0x154: {  	v61 =	vadd.f32 v13, v60  }
0x155: {  	v2 =	vadd.f32 v2, v5  }
0x156: {  	v62 =	vadd.f32 v59, v61  }
0x157: {  	v2 =	vadd.f32 v2, v3  }
0x158: {  	v63 =	vmul.f32 $2.000000030e-01, v62  }
0x159: {  	s7 =	sadd.s32 $0x10, s28;
	v2 =	vadd.f32 v2, v4  }
0x15a: {  	[tilespmem:s7+$0x0] =	vst v63  }
0x15b: {  	v1 =	vadd.f32 v2, v1;
	[hbm4b:s14+s17] =	stream.strided.scatter [tilespmem:s2], [sflag:$0x6], $0x400, s18, s17, $0x38;
	[tilespmem:$0x1B000] =	vst v63  }
0x15c: {  	_ =	swait.ge [sflag:s23], $0x400  }
0x15d: {  	s24 =	sadd.s32 $0x1, s24;
	v0 =	vadd.f32 v1, v0;
	[sflag:s23] =	ssyncset.done $0x0  }
0x15e: {  	p0 =	sne.s32 s24, s16;
	[sflag:s23] =	ssyncadd.s32 $0xFFFFFC00  }
.Ltmp8:
0x15f: {  	s28 =	simm.s32 $0x1AF80;
	[tilespmem:$0x1AF80] =	vst v0;
	(pc) =	sbr.rel @p0 .LBB2_1-.Ltmp8, $4  }
0x160: {  	[hbm4b:s15+s3] =	stream.linear.scatter [tilespmem:s28], [sflag:$0x6], $0x80, $0x38;
	[tilespmem:$0x1B000] =	vst v63  }
0x161: {  	_ =	swait.ge [sflag:s23], $0x80  }
0x162: {  	[sflag:s23] =	ssyncset.done $0x0  }
0x163: {  	[sflag:s23] =	ssyncadd.s32 $0xFFFFFF80  }
0x164: {  	_ =	sfence.sel $0x180000  }
0x165: {  	[bflag:$0x0] =	sbarrier.arrive $0xFFFF  }
0x166: {  	_ =	strace $0x90000047  }
0x167: {  	s0 =	stileid.u32;
	[bflag:$0x2] =	sbarrier.arrive $0xFFFF  }
0x168: {  	p0 =	sne.s32 s0, $0x0;
	s0 =	rddreg [dreg:$0x5]  }
0x169: {  	s0 =	sadd.s32 @!p0 $0x100000, s0  }
0x16a: {  	[sflag:s0] =	ssyncadd.tile.s32 @!p0 $0x1;
	_ =	shalt  }
.Lfunc_end2:
_tile_overlayer_lowered:
.L_overlay_start_2:
0x16b: {  	(tag) =	ssettag $0x2  }
0x16c: {  	s0 =	rddreg [dreg:$0x0];
	s2 =	stileid.u32  }
0x16d: {  	s1 =	rddreg [dreg:$0x1];
	p0 =	sne.s32 s2, $0x0  }
0x16e: {  	s3 =	rddreg [dreg:$0x2];
	[bflag:$0x3] =	sbarrier.arrive $0xFFFF;
	s2 =	simm.s32 @!p0 $0x1C06  }
0x16f: {  	[timem:s3], [sflag:s2] =	dma.local @!p0 [hbm:s0], s1  }
0x170: {  	s0 =	simm.s32 @!p0 $0x6  }
0x171: {  	_ =	swait.ge @!p0 [sflag:s0], s1  }
0x172: {  	s1 =	ssub.s32 @!p0 $0x0, s1;
	[sflag:s0] =	ssyncset.done @!p0 $0x0  }
0x173: {  	[sflag:s0] =	ssyncadd.s32 @!p0 s1  }
0x174: {  	[bflag:$0x3] =	sbarrier.arrive $0xFFFF  }
0x175: {  	_ =	shalt  }

</sc_bundles>
